<compile_context>
chip_gen: v7x
topology: tpu7x:2x2x1
jax: 0.10.2.dev20260603
libtpu: 0.0.44.dev20260713+nightly
codegen_flags: <defaults>
</compile_context>

<pallas_src>
import functools

import jax
import jax.numpy as jnp
from jax import lax
from jax.experimental import pallas as pl
from jax.experimental.pallas import tpu as pltpu
from jax.experimental.pallas import tpu_sc as plsc

BETA_C = 0.7
LMBDA_C = 3.0
CLIP_LO = 0.0001
CLIP_HI = 1.0 - 0.0001


def _sc_gather_rows(table, idx):
    info = plsc.get_sparse_core_info()
    nc, ns = info.num_cores, info.num_subcores
    nw = nc * ns
    b = idx.shape[0]
    d = table.shape[1]
    b_per_w = b // nw

    mesh = plsc.VectorSubcoreMesh(core_axis_name="c", subcore_axis_name="s")

    @functools.partial(
        pl.kernel,
        mesh=mesh,
        out_type=jax.ShapeDtypeStruct((b, d), jnp.float32),
        scratch_types=[
            pltpu.VMEM((b_per_w,), jnp.int32),
            pltpu.VMEM((b_per_w, d), jnp.float32),
            pltpu.SemaphoreType.DMA,
        ],
        compiler_params=pltpu.CompilerParams(needs_layout_passes=False),
    )
    def gather_kernel(table_hbm, idx_hbm, out_hbm, idx_v, rows_v, sem):
        wid = lax.axis_index("s") * nc + lax.axis_index("c")
        base = wid * b_per_w
        pltpu.sync_copy(idx_hbm.at[pl.ds(base, b_per_w)], idx_v)
        lanes = lax.broadcasted_iota(jnp.int32, (16,), 0)

        def chunk(ch, carry):
            v = idx_v[pl.ds(ch * 16, 16)]
            for half in range(2):
                descs = []
                for jj in range(half * 8, half * 8 + 8):
                    r = lax.reduce_sum(
                        jnp.where(lanes == jj, v, 0), axes=(0,)
                    )
                    dsc = pltpu.make_async_copy(
                        table_hbm.at[pl.ds(r, 1)],
                        rows_v.at[pl.ds(ch * 16 + jj, 1)],
                        sem,
                    )
                    dsc.start()
                    descs.append(dsc)
                for dsc in descs:
                    dsc.wait()
            return carry

        lax.fori_loop(0, b_per_w // 16, chunk, 0)
        pltpu.sync_copy(rows_v, out_hbm.at[pl.ds(base, b_per_w)])

    return gather_kernel(table, idx)


def _loss_body(out_ref, old_ref, lab_ref, loss_ref):
    x = out_ref[...]
    lab = lab_ref[...]

    m = jnp.max(x, axis=1, keepdims=True)
    e = jnp.exp(x - m)
    s = jnp.sum(e, axis=1, keepdims=True)
    lse = m + jnp.log(s)

    cls = lax.broadcasted_iota(jnp.int32, x.shape, 1)
    picked = jnp.sum(jnp.where(cls == lab, x, 0.0), axis=1, keepdims=True)
    ce_sum = jnp.sum(lse - picked)

    p = jnp.clip(e / s, CLIP_LO, CLIP_HI)
    sp = jnp.sum(p, axis=1, keepdims=True)
    t_rows = BETA_C * old_ref[...] + (1.0 - BETA_C) * (p / sp)
    dot = jnp.sum(t_rows * p, axis=1, keepdims=True)
    elr_sum = jnp.sum(jnp.log(1.0 - dot))

    n = jnp.float32(x.shape[0])
    val = ce_sum / n + LMBDA_C * (elr_sum / n)
    loss_ref[...] = jnp.full((1, 1), val, dtype=jnp.float32)


def _tc_loss(output, old_rows, label):
    b, c = output.shape
    loss = pl.pallas_call(
        _loss_body,
        out_shape=jax.ShapeDtypeStruct((1, 1), jnp.float32),
    )(output, old_rows, label.reshape(b, 1).astype(jnp.int32))
    return loss[0, 0]


def kernel(output, target, label, index):
    old_rows = _sc_gather_rows(target, index.astype(jnp.int32))
    return _tc_loss(output, old_rows, label)

# --- scband reference (transcript-rebuilt; emitter-appended) ---
"""Pipeline reference for scband-elrloss-45844480918117 (READ-ONLY COPY).

The authoritative reference and input builder live on the scoring server;
editing this copy changes nothing except your own understanding.
"""

import jax, jax.numpy as jnp
import numpy as np

NUM_EXAMP = 1000000
NUM_CLASS = 100
BETA = 0.7
LMBDA = 3.0
BATCH = 4096


def setup_inputs(seed: int = 0) -> dict:
    key = jax.random.key(seed)
    k1, k2, k3 = jax.random.split(key, 3)
    output = jax.random.normal(k1, (BATCH, NUM_CLASS), dtype=jnp.float32)
    label = jax.random.randint(k2, (BATCH,), 0, NUM_CLASS, dtype=jnp.int64 if jax.config.read('jax_enable_x64') else jnp.int32).astype(jnp.int32)
    index = jax.random.randint(k3, (BATCH,), 0, NUM_EXAMP).astype(jnp.int32)
    target = jnp.zeros((NUM_EXAMP, NUM_CLASS), dtype=jnp.float32)
    return {"output": output, "target": target, "label": label, "index": index}


def reference(output, target, label, index):
    # softmax + clamp
    y_pred = jax.nn.softmax(output, axis=1)
    y_pred = jnp.clip(y_pred, 0.0001, 1.0 - 0.0001)
    y_pred_ = jax.lax.stop_gradient(y_pred)
    # gather old target rows, EMA update, scatter-overwrite back
    old_rows = jnp.take(target, index, axis=0)
    new_rows = BETA * old_rows + (1.0 - BETA) * (y_pred_ / y_pred_.sum(axis=1, keepdims=True))
    target = target.at[index].set(new_rows)
    # cross entropy on raw logits (mean reduction)
    logp = jax.nn.log_softmax(output, axis=1)
    ce_loss = -jnp.mean(jnp.take_along_axis(logp, label[:, None].astype(jnp.int32), axis=1)[:, 0])
    # ELR regularizer using updated (detached) target rows
    t_rows = jax.lax.stop_gradient(jnp.take(target, index, axis=0))
    elr_reg = jnp.log(1.0 - (t_rows * y_pred).sum(axis=1)).mean()
    final_loss = ce_loss + LMBDA * elr_reg
    return final_loss

if __name__ == "__main__":
    import jax
    _d = setup_inputs()
    print(jax.jit(kernel)(*tuple(_d.values())))

</pallas_src>

<mosaic_0001>
#map = affine_map<(d0, d1) -> (0, 0)>
#map1 = affine_map<(d0, d1) -> (0)>
module attributes {stable_mosaic.version = 14 : i64} {
  func.func @gather_kernel(%arg0: i32, %arg1: i32, %arg2: memref<1000000x100xf32, #tpu.memory_space<hbm>>, %arg3: memref<4096xi32, #tpu.memory_space<hbm>>, %arg4: memref<4096x100xf32, #tpu.memory_space<hbm>>, %arg5: memref<128xi32, #tpu.memory_space<vmem>>, %arg6: memref<128x100xf32, #tpu.memory_space<vmem>>, %arg7: memref<!tpu.dma_semaphore, #tpu.memory_space<semaphore_mem>>) attributes {dimension_semantics = [#tpu.dimension_semantics<core_parallel>, #tpu.dimension_semantics<subcore_parallel>], iteration_bounds = array<i64: 2, 16>, scalar_prefetch = 0 : i64, scratch_operands = 3 : i64, tpu.core_type = #tpu.core_type<sc_vector_subcore>, window_params = [{transform_indices = #map}, {transform_indices = #map1}, {transform_indices = #map}]} {
    %mul3A = arith.constant 2 : i32
    %mul3A_0 = arith.muli %arg1, %mul3A : i32
    %add3A = arith.addi %mul3A_0, %arg0 : i32
    %mul3A_1 = arith.constant 128 : i32
    %mul3A_2 = arith.muli %add3A, %mul3A_1 : i32
    "tpu.region"() ({
      %run_scoped3A = tpu.sem_alloc : memref<!tpu.dma_semaphore, #tpu.memory_space<semaphore_mem>>
      %dma_start3A = tpu.memref_slice %arg3[%mul3A_2] : memref<4096xi32, #tpu.memory_space<hbm>> -> memref<128xi32, #tpu.memory_space<hbm>>
      %dma_start3A_8 = tpu.memref_slice %arg3[%mul3A_2] : memref<4096xi32, #tpu.memory_space<hbm>> -> memref<128xi32, #tpu.memory_space<hbm>>
      tpu.enqueue_dma source(%dma_start3A_8 : memref<128xi32, #tpu.memory_space<hbm>>) target(%arg5 : memref<128xi32, #tpu.memory_space<vmem>>) target_semaphore(%run_scoped3A : memref<!tpu.dma_semaphore, #tpu.memory_space<semaphore_mem>>)
      %dma_wait3A = tpu.memref_slice %arg3[%mul3A_2] : memref<4096xi32, #tpu.memory_space<hbm>> -> memref<128xi32, #tpu.memory_space<hbm>>
      %dma_wait3A_9 = tpu.memref_slice %arg3[%mul3A_2] : memref<4096xi32, #tpu.memory_space<hbm>> -> memref<128xi32, #tpu.memory_space<hbm>>
      tpu.wait_dma2 semaphore(%run_scoped3A : memref<!tpu.dma_semaphore, #tpu.memory_space<semaphore_mem>>) src(%dma_wait3A_9 : memref<128xi32, #tpu.memory_space<hbm>>) dst(%arg5 : memref<128xi32, #tpu.memory_space<vmem>>)
      tpu.yield
    }) : () -> ()
    %iota3A = tpu.iota {dimensions = array<i32: 0>} : vector<16xi32>
    %scan3A = arith.constant 0 : i32
    %scan3A_3 = arith.constant 0 : i32
    %scan3A_4 = arith.constant 8 : i32
    %scan3A_5 = arith.addi %scan3A_3, %scan3A_4 : i32
    %scan3A_6 = arith.constant 1 : i32
    scf.for %scan3A_8 = %scan3A_3 to %scan3A_5 step %scan3A_6  : i32 {
      %mul3A_9 = arith.constant 16 : i32
      %mul3A_10 = arith.muli %scan3A_8, %mul3A_9 : i32
      %get3A = arith.index_cast %mul3A_10 : i32 to index
      %get3A_11 = tpu.vector_load %arg5[%get3A] {strides = array<i32>} : memref<128xi32, #tpu.memory_space<vmem>>, vector<16xi32>,
      %eq3A = arith.constant 0 : i32
      %eq3A_12 = vector.broadcast %eq3A : i32 to vector<16xi32>
      %eq3A_13 = arith.cmpi eq, %iota3A, %eq3A_12 : vector<16xi32>
      %jit3A = arith.constant 0 : i32
      %broadcast_in_dim3A = vector.broadcast %jit3A : i32 to vector<16xi32>
      %select_n3A = arith.select %eq3A_13, %get3A_11, %broadcast_in_dim3A : vector<16xi1>, vector<16xi32>
      %reduce_sum3A = arith.constant true
      %reduce_sum3A_14 = vector.broadcast %reduce_sum3A : i1 to vector<16xi1>
      %reduce_sum3A_15 = tpu.scan <sum>, %select_n3A masked %reduce_sum3A_14 : vector<16xi32>, vector<16xi1> -> vector<16xi32>
      %reduce_sum3A_16 = vector.extract %reduce_sum3A_15[15] : i32 from vector<16xi32>
      %mul3A_17 = arith.constant 16 : i32
      %mul3A_18 = arith.muli %scan3A_8, %mul3A_17 : i32
      %add3A_19 = arith.constant 0 : i32
      %add3A_20 = arith.addi %mul3A_18, %add3A_19 : i32
      %dma_start3A = arith.constant 0 : i32
      %dma_start3A_21 = tpu.memref_slice %arg6[%add3A_20, %dma_start3A] : memref<128x100xf32, #tpu.memory_space<vmem>> -> memref<1x100xf32, #tpu.memory_space<vmem>>
      %dma_start3A_22 = arith.constant 0 : i32
      %dma_start3A_23 = tpu.memref_slice %arg2[%reduce_sum3A_16, %dma_start3A_22] : memref<1000000x100xf32, #tpu.memory_space<hbm>> -> memref<1x100xf32, #tpu.memory_space<hbm>>
      %dma_start3A_24 = arith.constant 0 : i32
      %dma_start3A_25 = tpu.memref_slice %arg6[%add3A_20, %dma_start3A_24] : memref<128x100xf32, #tpu.memory_space<vmem>> -> memref<1x100xf32, #tpu.memory_space<vmem>>
      %dma_start3A_26 = arith.constant 0 : i32
      %dma_start3A_27 = tpu.memref_slice %arg2[%reduce_sum3A_16, %dma_start3A_26] : memref<1000000x100xf32, #tpu.memory_space<hbm>> -> memref<1x100xf32, #tpu.memory_space<hbm>>
      tpu.enqueue_dma source(%dma_start3A_27 : memref<1x100xf32, #tpu.memory_space<hbm>>) target(%dma_start3A_25 : memref<1x100xf32, #tpu.memory_space<vmem>>) target_semaphore(%arg7 : memref<!tpu.dma_semaphore, #tpu.memory_space<semaphore_mem>>)
      %eq3A_28 = arith.constant 1 : i32
      %eq3A_29 = vector.broadcast %eq3A_28 : i32 to vector<16xi32>
      %eq3A_30 = arith.cmpi eq, %iota3A, %eq3A_29 : vector<16xi32>
      %jit3A_31 = arith.constant 0 : i32
      %broadcast_in_dim3A_32 = vector.broadcast %jit3A_31 : i32 to vector<16xi32>
      %select_n3A_33 = arith.select %eq3A_30, %get3A_11, %broadcast_in_dim3A_32 : vector<16xi1>, vector<16xi32>
      %reduce_sum3A_34 = arith.constant true
      %reduce_sum3A_35 = vector.broadcast %reduce_sum3A_34 : i1 to vector<16xi1>
      %reduce_sum3A_36 = tpu.scan <sum>, %select_n3A_33 masked %reduce_sum3A_35 : vector<16xi32>, vector<16xi1> -> vector<16xi32>
      %reduce_sum3A_37 = vector.extract %reduce_sum3A_36[15] : i32 from vector<16xi32>
      %mul3A_38 = arith.constant 16 : i32
      %mul3A_39 = arith.muli %scan3A_8, %mul3A_38 : i32
      %add3A_40 = arith.constant 1 : i32
      %add3A_41 = arith.addi %mul3A_39, %add3A_40 : i32
      %dma_start3A_42 = arith.constant 0 : i32
      %dma_start3A_43 = tpu.memref_slice %arg6[%add3A_41, %dma_start3A_42] : memref<128x100xf32, #tpu.memory_space<vmem>> -> memref<1x100xf32, #tpu.memory_space<vmem>>
      %dma_start3A_44 = arith.constant 0 : i32
      %dma_start3A_45 = tpu.memref_slice %arg2[%reduce_sum3A_37, %dma_start3A_44] : memref<1000000x100xf32, #tpu.memory_space<hbm>> -> memref<1x100xf32, #tpu.memory_space<hbm>>
      %dma_start3A_46 = arith.constant 0 : i32
      %dma_start3A_47 = tpu.memref_slice %arg6[%add3A_41, %dma_start3A_46] : memref<128x100xf32, #tpu.memory_space<vmem>> -> memref<1x100xf32, #tpu.memory_space<vmem>>
      %dma_start3A_48 = arith.constant 0 : i32
      %dma_start3A_49 = tpu.memref_slice %arg2[%reduce_sum3A_37, %dma_start3A_48] : memref<1000000x100xf32, #tpu.memory_space<hbm>> -> memref<1x100xf32, #tpu.memory_space<hbm>>
      tpu.enqueue_dma source(%dma_start3A_49 : memref<1x100xf32, #tpu.memory_space<hbm>>) target(%dma_start3A_47 : memref<1x100xf32, #tpu.memory_space<vmem>>) target_semaphore(%arg7 : memref<!tpu.dma_semaphore, #tpu.memory_space<semaphore_mem>>)
      %eq3A_50 = arith.constant 2 : i32
      %eq3A_51 = vector.broadcast %eq3A_50 : i32 to vector<16xi32>
      %eq3A_52 = arith.cmpi eq, %iota3A, %eq3A_51 : vector<16xi32>
      %jit3A_53 = arith.constant 0 : i32
      %broadcast_in_dim3A_54 = vector.broadcast %jit3A_53 : i32 to vector<16xi32>
      %select_n3A_55 = arith.select %eq3A_52, %get3A_11, %broadcast_in_dim3A_54 : vector<16xi1>, vector<16xi32>
      %reduce_sum3A_56 = arith.constant true
      %reduce_sum3A_57 = vector.broadcast %reduce_sum3A_56 : i1 to vector<16xi1>
      %reduce_sum3A_58 = tpu.scan <sum>, %select_n3A_55 masked %reduce_sum3A_57 : vector<16xi32>, vector<16xi1> -> vector<16xi32>
      %reduce_sum3A_59 = vector.extract %reduce_sum3A_58[15] : i32 from vector<16xi32>
      %mul3A_60 = arith.constant 16 : i32
      %mul3A_61 = arith.muli %scan3A_8, %mul3A_60 : i32
      %add3A_62 = arith.constant 2 : i32
      %add3A_63 = arith.addi %mul3A_61, %add3A_62 : i32
      %dma_start3A_64 = arith.constant 0 : i32
      %dma_start3A_65 = tpu.memref_slice %arg6[%add3A_63, %dma_start3A_64] : memref<128x100xf32, #tpu.memory_space<vmem>> -> memref<1x100xf32, #tpu.memory_space<vmem>>
      %dma_start3A_66 = arith.constant 0 : i32
      %dma_start3A_67 = tpu.memref_slice %arg2[%reduce_sum3A_59, %dma_start3A_66] : memref<1000000x100xf32, #tpu.memory_space<hbm>> -> memref<1x100xf32, #tpu.memory_space<hbm>>
      %dma_start3A_68 = arith.constant 0 : i32
      %dma_start3A_69 = tpu.memref_slice %arg6[%add3A_63, %dma_start3A_68] : memref<128x100xf32, #tpu.memory_space<vmem>> -> memref<1x100xf32, #tpu.memory_space<vmem>>
      %dma_start3A_70 = arith.constant 0 : i32
      %dma_start3A_71 = tpu.memref_slice %arg2[%reduce_sum3A_59, %dma_start3A_70] : memref<1000000x100xf32, #tpu.memory_space<hbm>> -> memref<1x100xf32, #tpu.memory_space<hbm>>
      tpu.enqueue_dma source(%dma_start3A_71 : memref<1x100xf32, #tpu.memory_space<hbm>>) target(%dma_start3A_69 : memref<1x100xf32, #tpu.memory_space<vmem>>) target_semaphore(%arg7 : memref<!tpu.dma_semaphore, #tpu.memory_space<semaphore_mem>>)
      %eq3A_72 = arith.constant 3 : i32
      %eq3A_73 = vector.broadcast %eq3A_72 : i32 to vector<16xi32>
      %eq3A_74 = arith.cmpi eq, %iota3A, %eq3A_73 : vector<16xi32>
      %jit3A_75 = arith.constant 0 : i32
      %broadcast_in_dim3A_76 = vector.broadcast %jit3A_75 : i32 to vector<16xi32>
      %select_n3A_77 = arith.select %eq3A_74, %get3A_11, %broadcast_in_dim3A_76 : vector<16xi1>, vector<16xi32>
      %reduce_sum3A_78 = arith.constant true
      %reduce_sum3A_79 = vector.broadcast %reduce_sum3A_78 : i1 to vector<16xi1>
      %reduce_sum3A_80 = tpu.scan <sum>, %select_n3A_77 masked %reduce_sum3A_79 : vector<16xi32>, vector<16xi1> -> vector<16xi32>
      %reduce_sum3A_81 = vector.extract %reduce_sum3A_80[15] : i32 from vector<16xi32>
      %mul3A_82 = arith.constant 16 : i32
      %mul3A_83 = arith.muli %scan3A_8, %mul3A_82 : i32
      %add3A_84 = arith.constant 3 : i32
      %add3A_85 = arith.addi %mul3A_83, %add3A_84 : i32
      %dma_start3A_86 = arith.constant 0 : i32
      %dma_start3A_87 = tpu.memref_slice %arg6[%add3A_85, %dma_start3A_86] : memref<128x100xf32, #tpu.memory_space<vmem>> -> memref<1x100xf32, #tpu.memory_space<vmem>>
      %dma_start3A_88 = arith.constant 0 : i32
      %dma_start3A_89 = tpu.memref_slice %arg2[%reduce_sum3A_81, %dma_start3A_88] : memref<1000000x100xf32, #tpu.memory_space<hbm>> -> memref<1x100xf32, #tpu.memory_space<hbm>>
      %dma_start3A_90 = arith.constant 0 : i32
      %dma_start3A_91 = tpu.memref_slice %arg6[%add3A_85, %dma_start3A_90] : memref<128x100xf32, #tpu.memory_space<vmem>> -> memref<1x100xf32, #tpu.memory_space<vmem>>
      %dma_start3A_92 = arith.constant 0 : i32
      %dma_start3A_93 = tpu.memref_slice %arg2[%reduce_sum3A_81, %dma_start3A_92] : memref<1000000x100xf32, #tpu.memory_space<hbm>> -> memref<1x100xf32, #tpu.memory_space<hbm>>
      tpu.enqueue_dma source(%dma_start3A_93 : memref<1x100xf32, #tpu.memory_space<hbm>>) target(%dma_start3A_91 : memref<1x100xf32, #tpu.memory_space<vmem>>) target_semaphore(%arg7 : memref<!tpu.dma_semaphore, #tpu.memory_space<semaphore_mem>>)
      %eq3A_94 = arith.constant 4 : i32
      %eq3A_95 = vector.broadcast %eq3A_94 : i32 to vector<16xi32>
      %eq3A_96 = arith.cmpi eq, %iota3A, %eq3A_95 : vector<16xi32>
      %jit3A_97 = arith.constant 0 : i32
      %broadcast_in_dim3A_98 = vector.broadcast %jit3A_97 : i32 to vector<16xi32>
      %select_n3A_99 = arith.select %eq3A_96, %get3A_11, %broadcast_in_dim3A_98 : vector<16xi1>, vector<16xi32>
      %reduce_sum3A_100 = arith.constant true
      %reduce_sum3A_101 = vector.broadcast %reduce_sum3A_100 : i1 to vector<16xi1>
      %reduce_sum3A_102 = tpu.scan <sum>, %select_n3A_99 masked %reduce_sum3A_101 : vector<16xi32>, vector<16xi1> -> vector<16xi32>
      %reduce_sum3A_103 = vector.extract %reduce_sum3A_102[15] : i32 from vector<16xi32>
      %mul3A_104 = arith.constant 16 : i32
      %mul3A_105 = arith.muli %scan3A_8, %mul3A_104 : i32
      %add3A_106 = arith.constant 4 : i32
      %add3A_107 = arith.addi %mul3A_105, %add3A_106 : i32
      %dma_start3A_108 = arith.constant 0 : i32
      %dma_start3A_109 = tpu.memref_slice %arg6[%add3A_107, %dma_start3A_108] : memref<128x100xf32, #tpu.memory_space<vmem>> -> memref<1x100xf32, #tpu.memory_space<vmem>>
      %dma_start3A_110 = arith.constant 0 : i32
      %dma_start3A_111 = tpu.memref_slice %arg2[%reduce_sum3A_103, %dma_start3A_110] : memref<1000000x100xf32, #tpu.memory_space<hbm>> -> memref<1x100xf32, #tpu.memory_space<hbm>>
      %dma_start3A_112 = arith.constant 0 : i32
      %dma_start3A_113 = tpu.memref_slice %arg6[%add3A_107, %dma_start3A_112] : memref<128x100xf32, #tpu.memory_space<vmem>> -> memref<1x100xf32, #tpu.memory_space<vmem>>
      %dma_start3A_114 = arith.constant 0 : i32
      %dma_start3A_115 = tpu.memref_slice %arg2[%reduce_sum3A_103, %dma_start3A_114] : memref<1000000x100xf32, #tpu.memory_space<hbm>> -> memref<1x100xf32, #tpu.memory_space<hbm>>
      tpu.enqueue_dma source(%dma_start3A_115 : memref<1x100xf32, #tpu.memory_space<hbm>>) target(%dma_start3A_113 : memref<1x100xf32, #tpu.memory_space<vmem>>) target_semaphore(%arg7 : memref<!tpu.dma_semaphore, #tpu.memory_space<semaphore_mem>>)
      %eq3A_116 = arith.constant 5 : i32
      %eq3A_117 = vector.broadcast %eq3A_116 : i32 to vector<16xi32>
      %eq3A_118 = arith.cmpi eq, %iota3A, %eq3A_117 : vector<16xi32>
      %jit3A_119 = arith.constant 0 : i32
      %broadcast_in_dim3A_120 = vector.broadcast %jit3A_119 : i32 to vector<16xi32>
      %select_n3A_121 = arith.select %eq3A_118, %get3A_11, %broadcast_in_dim3A_120 : vector<16xi1>, vector<16xi32>
      %reduce_sum3A_122 = arith.constant true
      %reduce_sum3A_123 = vector.broadcast %reduce_sum3A_122 : i1 to vector<16xi1>
      %reduce_sum3A_124 = tpu.scan <sum>, %select_n3A_121 masked %reduce_sum3A_123 : vector<16xi32>, vector<16xi1> -> vector<16xi32>
      %reduce_sum3A_125 = vector.extract %reduce_sum3A_124[15] : i32 from vector<16xi32>
      %mul3A_126 = arith.constant 16 : i32
      %mul3A_127 = arith.muli %scan3A_8, %mul3A_126 : i32
      %add3A_128 = arith.constant 5 : i32
      %add3A_129 = arith.addi %mul3A_127, %add3A_128 : i32
      %dma_start3A_130 = arith.constant 0 : i32
      %dma_start3A_131 = tpu.memref_slice %arg6[%add3A_129, %dma_start3A_130] : memref<128x100xf32, #tpu.memory_space<vmem>> -> memref<1x100xf32, #tpu.memory_space<vmem>>
      %dma_start3A_132 = arith.constant 0 : i32
      %dma_start3A_133 = tpu.memref_slice %arg2[%reduce_sum3A_125, %dma_start3A_132] : memref<1000000x100xf32, #tpu.memory_space<hbm>> -> memref<1x100xf32, #tpu.memory_space<hbm>>
      %dma_start3A_134 = arith.constant 0 : i32
      %dma_start3A_135 = tpu.memref_slice %arg6[%add3A_129, %dma_start3A_134] : memref<128x100xf32, #tpu.memory_space<vmem>> -> memref<1x100xf32, #tpu.memory_space<vmem>>
      %dma_start3A_136 = arith.constant 0 : i32
      %dma_start3A_137 = tpu.memref_slice %arg2[%reduce_sum3A_125, %dma_start3A_136] : memref<1000000x100xf32, #tpu.memory_space<hbm>> -> memref<1x100xf32, #tpu.memory_space<hbm>>
      tpu.enqueue_dma source(%dma_start3A_137 : memref<1x100xf32, #tpu.memory_space<hbm>>) target(%dma_start3A_135 : memref<1x100xf32, #tpu.memory_space<vmem>>) target_semaphore(%arg7 : memref<!tpu.dma_semaphore, #tpu.memory_space<semaphore_mem>>)
      %eq3A_138 = arith.constant 6 : i32
      %eq3A_139 = vector.broadcast %eq3A_138 : i32 to vector<16xi32>
      %eq3A_140 = arith.cmpi eq, %iota3A, %eq3A_139 : vector<16xi32>
      %jit3A_141 = arith.constant 0 : i32
      %broadcast_in_dim3A_142 = vector.broadcast %jit3A_141 : i32 to vector<16xi32>
      %select_n3A_143 = arith.select %eq3A_140, %get3A_11, %broadcast_in_dim3A_142 : vector<16xi1>, vector<16xi32>
      %reduce_sum3A_144 = arith.constant true
      %reduce_sum3A_145 = vector.broadcast %reduce_sum3A_144 : i1 to vector<16xi1>
      %reduce_sum3A_146 = tpu.scan <sum>, %select_n3A_143 masked %reduce_sum3A_145 : vector<16xi32>, vector<16xi1> -> vector<16xi32>
      %reduce_sum3A_147 = vector.extract %reduce_sum3A_146[15] : i32 from vector<16xi32>
      %mul3A_148 = arith.constant 16 : i32
      %mul3A_149 = arith.muli %scan3A_8, %mul3A_148 : i32
      %add3A_150 = arith.constant 6 : i32
      %add3A_151 = arith.addi %mul3A_149, %add3A_150 : i32
      %dma_start3A_152 = arith.constant 0 : i32
      %dma_start3A_153 = tpu.memref_slice %arg6[%add3A_151, %dma_start3A_152] : memref<128x100xf32, #tpu.memory_space<vmem>> -> memref<1x100xf32, #tpu.memory_space<vmem>>
      %dma_start3A_154 = arith.constant 0 : i32
      %dma_start3A_155 = tpu.memref_slice %arg2[%reduce_sum3A_147, %dma_start3A_154] : memref<1000000x100xf32, #tpu.memory_space<hbm>> -> memref<1x100xf32, #tpu.memory_space<hbm>>
      %dma_start3A_156 = arith.constant 0 : i32
      %dma_start3A_157 = tpu.memref_slice %arg6[%add3A_151, %dma_start3A_156] : memref<128x100xf32, #tpu.memory_space<vmem>> -> memref<1x100xf32, #tpu.memory_space<vmem>>
      %dma_start3A_158 = arith.constant 0 : i32
      %dma_start3A_159 = tpu.memref_slice %arg2[%reduce_sum3A_147, %dma_start3A_158] : memref<1000000x100xf32, #tpu.memory_space<hbm>> -> memref<1x100xf32, #tpu.memory_space<hbm>>
      tpu.enqueue_dma source(%dma_start3A_159 : memref<1x100xf32, #tpu.memory_space<hbm>>) target(%dma_start3A_157 : memref<1x100xf32, #tpu.memory_space<vmem>>) target_semaphore(%arg7 : memref<!tpu.dma_semaphore, #tpu.memory_space<semaphore_mem>>)
      %eq3A_160 = arith.constant 7 : i32
      %eq3A_161 = vector.broadcast %eq3A_160 : i32 to vector<16xi32>
      %eq3A_162 = arith.cmpi eq, %iota3A, %eq3A_161 : vector<16xi32>
      %jit3A_163 = arith.constant 0 : i32
      %broadcast_in_dim3A_164 = vector.broadcast %jit3A_163 : i32 to vector<16xi32>
      %select_n3A_165 = arith.select %eq3A_162, %get3A_11, %broadcast_in_dim3A_164 : vector<16xi1>, vector<16xi32>
      %reduce_sum3A_166 = arith.constant true
      %reduce_sum3A_167 = vector.broadcast %reduce_sum3A_166 : i1 to vector<16xi1>
      %reduce_sum3A_168 = tpu.scan <sum>, %select_n3A_165 masked %reduce_sum3A_167 : vector<16xi32>, vector<16xi1> -> vector<16xi32>
      %reduce_sum3A_169 = vector.extract %reduce_sum3A_168[15] : i32 from vector<16xi32>
      %mul3A_170 = arith.constant 16 : i32
      %mul3A_171 = arith.muli %scan3A_8, %mul3A_170 : i32
      %add3A_172 = arith.constant 7 : i32
      %add3A_173 = arith.addi %mul3A_171, %add3A_172 : i32
      %dma_start3A_174 = arith.constant 0 : i32
      %dma_start3A_175 = tpu.memref_slice %arg6[%add3A_173, %dma_start3A_174] : memref<128x100xf32, #tpu.memory_space<vmem>> -> memref<1x100xf32, #tpu.memory_space<vmem>>
      %dma_start3A_176 = arith.constant 0 : i32
      %dma_start3A_177 = tpu.memref_slice %arg2[%reduce_sum3A_169, %dma_start3A_176] : memref<1000000x100xf32, #tpu.memory_space<hbm>> -> memref<1x100xf32, #tpu.memory_space<hbm>>
      %dma_start3A_178 = arith.constant 0 : i32
      %dma_start3A_179 = tpu.memref_slice %arg6[%add3A_173, %dma_start3A_178] : memref<128x100xf32, #tpu.memory_space<vmem>> -> memref<1x100xf32, #tpu.memory_space<vmem>>
      %dma_start3A_180 = arith.constant 0 : i32
      %dma_start3A_181 = tpu.memref_slice %arg2[%reduce_sum3A_169, %dma_start3A_180] : memref<1000000x100xf32, #tpu.memory_space<hbm>> -> memref<1x100xf32, #tpu.memory_space<hbm>>
      tpu.enqueue_dma source(%dma_start3A_181 : memref<1x100xf32, #tpu.memory_space<hbm>>) target(%dma_start3A_179 : memref<1x100xf32, #tpu.memory_space<vmem>>) target_semaphore(%arg7 : memref<!tpu.dma_semaphore, #tpu.memory_space<semaphore_mem>>)
      %dma_wait3A = arith.constant 0 : i32
      %dma_wait3A_182 = tpu.memref_slice %arg6[%add3A_20, %dma_wait3A] : memref<128x100xf32, #tpu.memory_space<vmem>> -> memref<1x100xf32, #tpu.memory_space<vmem>>
      %dma_wait3A_183 = arith.constant 0 : i32
      %dma_wait3A_184 = tpu.memref_slice %arg2[%reduce_sum3A_16, %dma_wait3A_183] : memref<1000000x100xf32, #tpu.memory_space<hbm>> -> memref<1x100xf32, #tpu.memory_space<hbm>>
      %dma_wait3A_185 = arith.constant 0 : i32
      %dma_wait3A_186 = tpu.memref_slice %arg6[%add3A_20, %dma_wait3A_185] : memref<128x100xf32, #tpu.memory_space<vmem>> -> memref<1x100xf32, #tpu.memory_space<vmem>>
      %dma_wait3A_187 = arith.constant 0 : i32
      %dma_wait3A_188 = tpu.memref_slice %arg2[%reduce_sum3A_16, %dma_wait3A_187] : memref<1000000x100xf32, #tpu.memory_space<hbm>> -> memref<1x100xf32, #tpu.memory_space<hbm>>
      tpu.wait_dma2 semaphore(%arg7 : memref<!tpu.dma_semaphore, #tpu.memory_space<semaphore_mem>>) src(%dma_wait3A_188 : memref<1x100xf32, #tpu.memory_space<hbm>>) dst(%dma_wait3A_186 : memref<1x100xf32, #tpu.memory_space<vmem>>)
      %dma_wait3A_189 = arith.constant 0 : i32
      %dma_wait3A_190 = tpu.memref_slice %arg6[%add3A_41, %dma_wait3A_189] : memref<128x100xf32, #tpu.memory_space<vmem>> -> memref<1x100xf32, #tpu.memory_space<vmem>>
      %dma_wait3A_191 = arith.constant 0 : i32
      %dma_wait3A_192 = tpu.memref_slice %arg2[%reduce_sum3A_37, %dma_wait3A_191] : memref<1000000x100xf32, #tpu.memory_space<hbm>> -> memref<1x100xf32, #tpu.memory_space<hbm>>
      %dma_wait3A_193 = arith.constant 0 : i32
      %dma_wait3A_194 = tpu.memref_slice %arg6[%add3A_41, %dma_wait3A_193] : memref<128x100xf32, #tpu.memory_space<vmem>> -> memref<1x100xf32, #tpu.memory_space<vmem>>
      %dma_wait3A_195 = arith.constant 0 : i32
      %dma_wait3A_196 = tpu.memref_slice %arg2[%reduce_sum3A_37, %dma_wait3A_195] : memref<1000000x100xf32, #tpu.memory_space<hbm>> -> memref<1x100xf32, #tpu.memory_space<hbm>>
      tpu.wait_dma2 semaphore(%arg7 : memref<!tpu.dma_semaphore, #tpu.memory_space<semaphore_mem>>) src(%dma_wait3A_196 : memref<1x100xf32, #tpu.memory_space<hbm>>) dst(%dma_wait3A_194 : memref<1x100xf32, #tpu.memory_space<vmem>>)
      %dma_wait3A_197 = arith.constant 0 : i32
      %dma_wait3A_198 = tpu.memref_slice %arg6[%add3A_63, %dma_wait3A_197] : memref<128x100xf32, #tpu.memory_space<vmem>> -> memref<1x100xf32, #tpu.memory_space<vmem>>
      %dma_wait3A_199 = arith.constant 0 : i32
      %dma_wait3A_200 = tpu.memref_slice %arg2[%reduce_sum3A_59, %dma_wait3A_199] : memref<1000000x100xf32, #tpu.memory_space<hbm>> -> memref<1x100xf32, #tpu.memory_space<hbm>>
      %dma_wait3A_201 = arith.constant 0 : i32
      %dma_wait3A_202 = tpu.memref_slice %arg6[%add3A_63, %dma_wait3A_201] : memref<128x100xf32, #tpu.memory_space<vmem>> -> memref<1x100xf32, #tpu.memory_space<vmem>>
      %dma_wait3A_203 = arith.constant 0 : i32
      %dma_wait3A_204 = tpu.memref_slice %arg2[%reduce_sum3A_59, %dma_wait3A_203] : memref<1000000x100xf32, #tpu.memory_space<hbm>> -> memref<1x100xf32, #tpu.memory_space<hbm>>
      tpu.wait_dma2 semaphore(%arg7 : memref<!tpu.dma_semaphore, #tpu.memory_space<semaphore_mem>>) src(%dma_wait3A_204 : memref<1x100xf32, #tpu.memory_space<hbm>>) dst(%dma_wait3A_202 : memref<1x100xf32, #tpu.memory_space<vmem>>)
      %dma_wait3A_205 = arith.constant 0 : i32
      %dma_wait3A_206 = tpu.memref_slice %arg6[%add3A_85, %dma_wait3A_205] : memref<128x100xf32, #tpu.memory_space<vmem>> -> memref<1x100xf32, #tpu.memory_space<vmem>>
      %dma_wait3A_207 = arith.constant 0 : i32
      %dma_wait3A_208 = tpu.memref_slice %arg2[%reduce_sum3A_81, %dma_wait3A_207] : memref<1000000x100xf32, #tpu.memory_space<hbm>> -> memref<1x100xf32, #tpu.memory_space<hbm>>
      %dma_wait3A_209 = arith.constant 0 : i32
      %dma_wait3A_210 = tpu.memref_slice %arg6[%add3A_85, %dma_wait3A_209] : memref<128x100xf32, #tpu.memory_space<vmem>> -> memref<1x100xf32, #tpu.memory_space<vmem>>
      %dma_wait3A_211 = arith.constant 0 : i32
      %dma_wait3A_212 = tpu.memref_slice %arg2[%reduce_sum3A_81, %dma_wait3A_211] : memref<1000000x100xf32, #tpu.memory_space<hbm>> -> memref<1x100xf32, #tpu.memory_space<hbm>>
      tpu.wait_dma2 semaphore(%arg7 : memref<!tpu.dma_semaphore, #tpu.memory_space<semaphore_mem>>) src(%dma_wait3A_212 : memref<1x100xf32, #tpu.memory_space<hbm>>) dst(%dma_wait3A_210 : memref<1x100xf32, #tpu.memory_space<vmem>>)
      %dma_wait3A_213 = arith.constant 0 : i32
      %dma_wait3A_214 = tpu.memref_slice %arg6[%add3A_107, %dma_wait3A_213] : memref<128x100xf32, #tpu.memory_space<vmem>> -> memref<1x100xf32, #tpu.memory_space<vmem>>
      %dma_wait3A_215 = arith.constant 0 : i32
      %dma_wait3A_216 = tpu.memref_slice %arg2[%reduce_sum3A_103, %dma_wait3A_215] : memref<1000000x100xf32, #tpu.memory_space<hbm>> -> memref<1x100xf32, #tpu.memory_space<hbm>>
      %dma_wait3A_217 = arith.constant 0 : i32
      %dma_wait3A_218 = tpu.memref_slice %arg6[%add3A_107, %dma_wait3A_217] : memref<128x100xf32, #tpu.memory_space<vmem>> -> memref<1x100xf32, #tpu.memory_space<vmem>>
      %dma_wait3A_219 = arith.constant 0 : i32
      %dma_wait3A_220 = tpu.memref_slice %arg2[%reduce_sum3A_103, %dma_wait3A_219] : memref<1000000x100xf32, #tpu.memory_space<hbm>> -> memref<1x100xf32, #tpu.memory_space<hbm>>
      tpu.wait_dma2 semaphore(%arg7 : memref<!tpu.dma_semaphore, #tpu.memory_space<semaphore_mem>>) src(%dma_wait3A_220 : memref<1x100xf32, #tpu.memory_space<hbm>>) dst(%dma_wait3A_218 : memref<1x100xf32, #tpu.memory_space<vmem>>)
      %dma_wait3A_221 = arith.constant 0 : i32
      %dma_wait3A_222 = tpu.memref_slice %arg6[%add3A_129, %dma_wait3A_221] : memref<128x100xf32, #tpu.memory_space<vmem>> -> memref<1x100xf32, #tpu.memory_space<vmem>>
      %dma_wait3A_223 = arith.constant 0 : i32
      %dma_wait3A_224 = tpu.memref_slice %arg2[%reduce_sum3A_125, %dma_wait3A_223] : memref<1000000x100xf32, #tpu.memory_space<hbm>> -> memref<1x100xf32, #tpu.memory_space<hbm>>
      %dma_wait3A_225 = arith.constant 0 : i32
      %dma_wait3A_226 = tpu.memref_slice %arg6[%add3A_129, %dma_wait3A_225] : memref<128x100xf32, #tpu.memory_space<vmem>> -> memref<1x100xf32, #tpu.memory_space<vmem>>
      %dma_wait3A_227 = arith.constant 0 : i32
      %dma_wait3A_228 = tpu.memref_slice %arg2[%reduce_sum3A_125, %dma_wait3A_227] : memref<1000000x100xf32, #tpu.memory_space<hbm>> -> memref<1x100xf32, #tpu.memory_space<hbm>>
      tpu.wait_dma2 semaphore(%arg7 : memref<!tpu.dma_semaphore, #tpu.memory_space<semaphore_mem>>) src(%dma_wait3A_228 : memref<1x100xf32, #tpu.memory_space<hbm>>) dst(%dma_wait3A_226 : memref<1x100xf32, #tpu.memory_space<vmem>>)
      %dma_wait3A_229 = arith.constant 0 : i32
      %dma_wait3A_230 = tpu.memref_slice %arg6[%add3A_151, %dma_wait3A_229] : memref<128x100xf32, #tpu.memory_space<vmem>> -> memref<1x100xf32, #tpu.memory_space<vmem>>
      %dma_wait3A_231 = arith.constant 0 : i32
      %dma_wait3A_232 = tpu.memref_slice %arg2[%reduce_sum3A_147, %dma_wait3A_231] : memref<1000000x100xf32, #tpu.memory_space<hbm>> -> memref<1x100xf32, #tpu.memory_space<hbm>>
      %dma_wait3A_233 = arith.constant 0 : i32
      %dma_wait3A_234 = tpu.memref_slice %arg6[%add3A_151, %dma_wait3A_233] : memref<128x100xf32, #tpu.memory_space<vmem>> -> memref<1x100xf32, #tpu.memory_space<vmem>>
      %dma_wait3A_235 = arith.constant 0 : i32
      %dma_wait3A_236 = tpu.memref_slice %arg2[%reduce_sum3A_147, %dma_wait3A_235] : memref<1000000x100xf32, #tpu.memory_space<hbm>> -> memref<1x100xf32, #tpu.memory_space<hbm>>
      tpu.wait_dma2 semaphore(%arg7 : memref<!tpu.dma_semaphore, #tpu.memory_space<semaphore_mem>>) src(%dma_wait3A_236 : memref<1x100xf32, #tpu.memory_space<hbm>>) dst(%dma_wait3A_234 : memref<1x100xf32, #tpu.memory_space<vmem>>)
      %dma_wait3A_237 = arith.constant 0 : i32
      %dma_wait3A_238 = tpu.memref_slice %arg6[%add3A_173, %dma_wait3A_237] : memref<128x100xf32, #tpu.memory_space<vmem>> -> memref<1x100xf32, #tpu.memory_space<vmem>>
      %dma_wait3A_239 = arith.constant 0 : i32
      %dma_wait3A_240 = tpu.memref_slice %arg2[%reduce_sum3A_169, %dma_wait3A_239] : memref<1000000x100xf32, #tpu.memory_space<hbm>> -> memref<1x100xf32, #tpu.memory_space<hbm>>
      %dma_wait3A_241 = arith.constant 0 : i32
      %dma_wait3A_242 = tpu.memref_slice %arg6[%add3A_173, %dma_wait3A_241] : memref<128x100xf32, #tpu.memory_space<vmem>> -> memref<1x100xf32, #tpu.memory_space<vmem>>
      %dma_wait3A_243 = arith.constant 0 : i32
      %dma_wait3A_244 = tpu.memref_slice %arg2[%reduce_sum3A_169, %dma_wait3A_243] : memref<1000000x100xf32, #tpu.memory_space<hbm>> -> memref<1x100xf32, #tpu.memory_space<hbm>>
      tpu.wait_dma2 semaphore(%arg7 : memref<!tpu.dma_semaphore, #tpu.memory_space<semaphore_mem>>) src(%dma_wait3A_244 : memref<1x100xf32, #tpu.memory_space<hbm>>) dst(%dma_wait3A_242 : memref<1x100xf32, #tpu.memory_space<vmem>>)
      %eq3A_245 = arith.constant 8 : i32
      %eq3A_246 = vector.broadcast %eq3A_245 : i32 to vector<16xi32>
      %eq3A_247 = arith.cmpi eq, %iota3A, %eq3A_246 : vector<16xi32>
      %jit3A_248 = arith.constant 0 : i32
      %broadcast_in_dim3A_249 = vector.broadcast %jit3A_248 : i32 to vector<16xi32>
      %select_n3A_250 = arith.select %eq3A_247, %get3A_11, %broadcast_in_dim3A_249 : vector<16xi1>, vector<16xi32>
      %reduce_sum3A_251 = arith.constant true
      %reduce_sum3A_252 = vector.broadcast %reduce_sum3A_251 : i1 to vector<16xi1>
      %reduce_sum3A_253 = tpu.scan <sum>, %select_n3A_250 masked %reduce_sum3A_252 : vector<16xi32>, vector<16xi1> -> vector<16xi32>
      %reduce_sum3A_254 = vector.extract %reduce_sum3A_253[15] : i32 from vector<16xi32>
      %mul3A_255 = arith.constant 16 : i32
      %mul3A_256 = arith.muli %scan3A_8, %mul3A_255 : i32
      %add3A_257 = arith.constant 8 : i32
      %add3A_258 = arith.addi %mul3A_256, %add3A_257 : i32
      %dma_start3A_259 = arith.constant 0 : i32
      %dma_start3A_260 = tpu.memref_slice %arg6[%add3A_258, %dma_start3A_259] : memref<128x100xf32, #tpu.memory_space<vmem>> -> memref<1x100xf32, #tpu.memory_space<vmem>>
      %dma_start3A_261 = arith.constant 0 : i32
      %dma_start3A_262 = tpu.memref_slice %arg2[%reduce_sum3A_254, %dma_start3A_261] : memref<1000000x100xf32, #tpu.memory_space<hbm>> -> memref<1x100xf32, #tpu.memory_space<hbm>>
      %dma_start3A_263 = arith.constant 0 : i32
      %dma_start3A_264 = tpu.memref_slice %arg6[%add3A_258, %dma_start3A_263] : memref<128x100xf32, #tpu.memory_space<vmem>> -> memref<1x100xf32, #tpu.memory_space<vmem>>
      %dma_start3A_265 = arith.constant 0 : i32
      %dma_start3A_266 = tpu.memref_slice %arg2[%reduce_sum3A_254, %dma_start3A_265] : memref<1000000x100xf32, #tpu.memory_space<hbm>> -> memref<1x100xf32, #tpu.memory_space<hbm>>
      tpu.enqueue_dma source(%dma_start3A_266 : memref<1x100xf32, #tpu.memory_space<hbm>>) target(%dma_start3A_264 : memref<1x100xf32, #tpu.memory_space<vmem>>) target_semaphore(%arg7 : memref<!tpu.dma_semaphore, #tpu.memory_space<semaphore_mem>>)
      %eq3A_267 = arith.constant 9 : i32
      %eq3A_268 = vector.broadcast %eq3A_267 : i32 to vector<16xi32>
      %eq3A_269 = arith.cmpi eq, %iota3A, %eq3A_268 : vector<16xi32>
      %jit3A_270 = arith.constant 0 : i32
      %broadcast_in_dim3A_271 = vector.broadcast %jit3A_270 : i32 to vector<16xi32>
      %select_n3A_272 = arith.select %eq3A_269, %get3A_11, %broadcast_in_dim3A_271 : vector<16xi1>, vector<16xi32>
      %reduce_sum3A_273 = arith.constant true
      %reduce_sum3A_274 = vector.broadcast %reduce_sum3A_273 : i1 to vector<16xi1>
      %reduce_sum3A_275 = tpu.scan <sum>, %select_n3A_272 masked %reduce_sum3A_274 : vector<16xi32>, vector<16xi1> -> vector<16xi32>
      %reduce_sum3A_276 = vector.extract %reduce_sum3A_275[15] : i32 from vector<16xi32>
      %mul3A_277 = arith.constant 16 : i32
      %mul3A_278 = arith.muli %scan3A_8, %mul3A_277 : i32
      %add3A_279 = arith.constant 9 : i32
      %add3A_280 = arith.addi %mul3A_278, %add3A_279 : i32
      %dma_start3A_281 = arith.constant 0 : i32
      %dma_start3A_282 = tpu.memref_slice %arg6[%add3A_280, %dma_start3A_281] : memref<128x100xf32, #tpu.memory_space<vmem>> -> memref<1x100xf32, #tpu.memory_space<vmem>>
      %dma_start3A_283 = arith.constant 0 : i32
      %dma_start3A_284 = tpu.memref_slice %arg2[%reduce_sum3A_276, %dma_start3A_283] : memref<1000000x100xf32, #tpu.memory_space<hbm>> -> memref<1x100xf32, #tpu.memory_space<hbm>>
      %dma_start3A_285 = arith.constant 0 : i32
      %dma_start3A_286 = tpu.memref_slice %arg6[%add3A_280, %dma_start3A_285] : memref<128x100xf32, #tpu.memory_space<vmem>> -> memref<1x100xf32, #tpu.memory_space<vmem>>
      %dma_start3A_287 = arith.constant 0 : i32
      %dma_start3A_288 = tpu.memref_slice %arg2[%reduce_sum3A_276, %dma_start3A_287] : memref<1000000x100xf32, #tpu.memory_space<hbm>> -> memref<1x100xf32, #tpu.memory_space<hbm>>
      tpu.enqueue_dma source(%dma_start3A_288 : memref<1x100xf32, #tpu.memory_space<hbm>>) target(%dma_start3A_286 : memref<1x100xf32, #tpu.memory_space<vmem>>) target_semaphore(%arg7 : memref<!tpu.dma_semaphore, #tpu.memory_space<semaphore_mem>>)
      %eq3A_289 = arith.constant 10 : i32
      %eq3A_290 = vector.broadcast %eq3A_289 : i32 to vector<16xi32>
      %eq3A_291 = arith.cmpi eq, %iota3A, %eq3A_290 : vector<16xi32>
      %jit3A_292 = arith.constant 0 : i32
      %broadcast_in_dim3A_293 = vector.broadcast %jit3A_292 : i32 to vector<16xi32>
      %select_n3A_294 = arith.select %eq3A_291, %get3A_11, %broadcast_in_dim3A_293 : vector<16xi1>, vector<16xi32>
      %reduce_sum3A_295 = arith.constant true
      %reduce_sum3A_296 = vector.broadcast %reduce_sum3A_295 : i1 to vector<16xi1>
      %reduce_sum3A_297 = tpu.scan <sum>, %select_n3A_294 masked %reduce_sum3A_296 : vector<16xi32>, vector<16xi1> -> vector<16xi32>
      %reduce_sum3A_298 = vector.extract %reduce_sum3A_297[15] : i32 from vector<16xi32>
      %mul3A_299 = arith.constant 16 : i32
      %mul3A_300 = arith.muli %scan3A_8, %mul3A_299 : i32
      %add3A_301 = arith.constant 10 : i32
      %add3A_302 = arith.addi %mul3A_300, %add3A_301 : i32
      %dma_start3A_303 = arith.constant 0 : i32
      %dma_start3A_304 = tpu.memref_slice %arg6[%add3A_302, %dma_start3A_303] : memref<128x100xf32, #tpu.memory_space<vmem>> -> memref<1x100xf32, #tpu.memory_space<vmem>>
      %dma_start3A_305 = arith.constant 0 : i32
      %dma_start3A_306 = tpu.memref_slice %arg2[%reduce_sum3A_298, %dma_start3A_305] : memref<1000000x100xf32, #tpu.memory_space<hbm>> -> memref<1x100xf32, #tpu.memory_space<hbm>>
      %dma_start3A_307 = arith.constant 0 : i32
      %dma_start3A_308 = tpu.memref_slice %arg6[%add3A_302, %dma_start3A_307] : memref<128x100xf32, #tpu.memory_space<vmem>> -> memref<1x100xf32, #tpu.memory_space<vmem>>
      %dma_start3A_309 = arith.constant 0 : i32
      %dma_start3A_310 = tpu.memref_slice %arg2[%reduce_sum3A_298, %dma_start3A_309] : memref<1000000x100xf32, #tpu.memory_space<hbm>> -> memref<1x100xf32, #tpu.memory_space<hbm>>
      tpu.enqueue_dma source(%dma_start3A_310 : memref<1x100xf32, #tpu.memory_space<hbm>>) target(%dma_start3A_308 : memref<1x100xf32, #tpu.memory_space<vmem>>) target_semaphore(%arg7 : memref<!tpu.dma_semaphore, #tpu.memory_space<semaphore_mem>>)
      %eq3A_311 = arith.constant 11 : i32
      %eq3A_312 = vector.broadcast %eq3A_311 : i32 to vector<16xi32>
      %eq3A_313 = arith.cmpi eq, %iota3A, %eq3A_312 : vector<16xi32>
      %jit3A_314 = arith.constant 0 : i32
      %broadcast_in_dim3A_315 = vector.broadcast %jit3A_314 : i32 to vector<16xi32>
      %select_n3A_316 = arith.select %eq3A_313, %get3A_11, %broadcast_in_dim3A_315 : vector<16xi1>, vector<16xi32>
      %reduce_sum3A_317 = arith.constant true
      %reduce_sum3A_318 = vector.broadcast %reduce_sum3A_317 : i1 to vector<16xi1>
      %reduce_sum3A_319 = tpu.scan <sum>, %select_n3A_316 masked %reduce_sum3A_318 : vector<16xi32>, vector<16xi1> -> vector<16xi32>
      %reduce_sum3A_320 = vector.extract %reduce_sum3A_319[15] : i32 from vector<16xi32>
      %mul3A_321 = arith.constant 16 : i32
      %mul3A_322 = arith.muli %scan3A_8, %mul3A_321 : i32
      %add3A_323 = arith.constant 11 : i32
      %add3A_324 = arith.addi %mul3A_322, %add3A_323 : i32
      %dma_start3A_325 = arith.constant 0 : i32
      %dma_start3A_326 = tpu.memref_slice %arg6[%add3A_324, %dma_start3A_325] : memref<128x100xf32, #tpu.memory_space<vmem>> -> memref<1x100xf32, #tpu.memory_space<vmem>>
      %dma_start3A_327 = arith.constant 0 : i32
      %dma_start3A_328 = tpu.memref_slice %arg2[%reduce_sum3A_320, %dma_start3A_327] : memref<1000000x100xf32, #tpu.memory_space<hbm>> -> memref<1x100xf32, #tpu.memory_space<hbm>>
      %dma_start3A_329 = arith.constant 0 : i32
      %dma_start3A_330 = tpu.memref_slice %arg6[%add3A_324, %dma_start3A_329] : memref<128x100xf32, #tpu.memory_space<vmem>> -> memref<1x100xf32, #tpu.memory_space<vmem>>
      %dma_start3A_331 = arith.constant 0 : i32
      %dma_start3A_332 = tpu.memref_slice %arg2[%reduce_sum3A_320, %dma_start3A_331] : memref<1000000x100xf32, #tpu.memory_space<hbm>> -> memref<1x100xf32, #tpu.memory_space<hbm>>
      tpu.enqueue_dma source(%dma_start3A_332 : memref<1x100xf32, #tpu.memory_space<hbm>>) target(%dma_start3A_330 : memref<1x100xf32, #tpu.memory_space<vmem>>) target_semaphore(%arg7 : memref<!tpu.dma_semaphore, #tpu.memory_space<semaphore_mem>>)
      %eq3A_333 = arith.constant 12 : i32
      %eq3A_334 = vector.broadcast %eq3A_333 : i32 to vector<16xi32>
      %eq3A_335 = arith.cmpi eq, %iota3A, %eq3A_334 : vector<16xi32>
      %jit3A_336 = arith.constant 0 : i32
      %broadcast_in_dim3A_337 = vector.broadcast %jit3A_336 : i32 to vector<16xi32>
      %select_n3A_338 = arith.select %eq3A_335, %get3A_11, %broadcast_in_dim3A_337 : vector<16xi1>, vector<16xi32>
      %reduce_sum3A_339 = arith.constant true
      %reduce_sum3A_340 = vector.broadcast %reduce_sum3A_339 : i1 to vector<16xi1>
      %reduce_sum3A_341 = tpu.scan <sum>, %select_n3A_338 masked %reduce_sum3A_340 : vector<16xi32>, vector<16xi1> -> vector<16xi32>
      %reduce_sum3A_342 = vector.extract %reduce_sum3A_341[15] : i32 from vector<16xi32>
      %mul3A_343 = arith.constant 16 : i32
      %mul3A_344 = arith.muli %scan3A_8, %mul3A_343 : i32
      %add3A_345 = arith.constant 12 : i32
      %add3A_346 = arith.addi %mul3A_344, %add3A_345 : i32
      %dma_start3A_347 = arith.constant 0 : i32
      %dma_start3A_348 = tpu.memref_slice %arg6[%add3A_346, %dma_start3A_347] : memref<128x100xf32, #tpu.memory_space<vmem>> -> memref<1x100xf32, #tpu.memory_space<vmem>>
      %dma_start3A_349 = arith.constant 0 : i32
      %dma_start3A_350 = tpu.memref_slice %arg2[%reduce_sum3A_342, %dma_start3A_349] : memref<1000000x100xf32, #tpu.memory_space<hbm>> -> memref<1x100xf32, #tpu.memory_space<hbm>>
      %dma_start3A_351 = arith.constant 0 : i32
      %dma_start3A_352 = tpu.memref_slice %arg6[%add3A_346, %dma_start3A_351] : memref<128x100xf32, #tpu.memory_space<vmem>> -> memref<1x100xf32, #tpu.memory_space<vmem>>
      %dma_start3A_353 = arith.constant 0 : i32
      %dma_start3A_354 = tpu.memref_slice %arg2[%reduce_sum3A_342, %dma_start3A_353] : memref<1000000x100xf32, #tpu.memory_space<hbm>> -> memref<1x100xf32, #tpu.memory_space<hbm>>
      tpu.enqueue_dma source(%dma_start3A_354 : memref<1x100xf32, #tpu.memory_space<hbm>>) target(%dma_start3A_352 : memref<1x100xf32, #tpu.memory_space<vmem>>) target_semaphore(%arg7 : memref<!tpu.dma_semaphore, #tpu.memory_space<semaphore_mem>>)
      %eq3A_355 = arith.constant 13 : i32
      %eq3A_356 = vector.broadcast %eq3A_355 : i32 to vector<16xi32>
      %eq3A_357 = arith.cmpi eq, %iota3A, %eq3A_356 : vector<16xi32>
      %jit3A_358 = arith.constant 0 : i32
      %broadcast_in_dim3A_359 = vector.broadcast %jit3A_358 : i32 to vector<16xi32>
      %select_n3A_360 = arith.select %eq3A_357, %get3A_11, %broadcast_in_dim3A_359 : vector<16xi1>, vector<16xi32>
      %reduce_sum3A_361 = arith.constant true
      %reduce_sum3A_362 = vector.broadcast %reduce_sum3A_361 : i1 to vector<16xi1>
      %reduce_sum3A_363 = tpu.scan <sum>, %select_n3A_360 masked %reduce_sum3A_362 : vector<16xi32>, vector<16xi1> -> vector<16xi32>
      %reduce_sum3A_364 = vector.extract %reduce_sum3A_363[15] : i32 from vector<16xi32>
      %mul3A_365 = arith.constant 16 : i32
      %mul3A_366 = arith.muli %scan3A_8, %mul3A_365 : i32
      %add3A_367 = arith.constant 13 : i32
      %add3A_368 = arith.addi %mul3A_366, %add3A_367 : i32
      %dma_start3A_369 = arith.constant 0 : i32
      %dma_start3A_370 = tpu.memref_slice %arg6[%add3A_368, %dma_start3A_369] : memref<128x100xf32, #tpu.memory_space<vmem>> -> memref<1x100xf32, #tpu.memory_space<vmem>>
      %dma_start3A_371 = arith.constant 0 : i32
      %dma_start3A_372 = tpu.memref_slice %arg2[%reduce_sum3A_364, %dma_start3A_371] : memref<1000000x100xf32, #tpu.memory_space<hbm>> -> memref<1x100xf32, #tpu.memory_space<hbm>>
      %dma_start3A_373 = arith.constant 0 : i32
      %dma_start3A_374 = tpu.memref_slice %arg6[%add3A_368, %dma_start3A_373] : memref<128x100xf32, #tpu.memory_space<vmem>> -> memref<1x100xf32, #tpu.memory_space<vmem>>
      %dma_start3A_375 = arith.constant 0 : i32
      %dma_start3A_376 = tpu.memref_slice %arg2[%reduce_sum3A_364, %dma_start3A_375] : memref<1000000x100xf32, #tpu.memory_space<hbm>> -> memref<1x100xf32, #tpu.memory_space<hbm>>
      tpu.enqueue_dma source(%dma_start3A_376 : memref<1x100xf32, #tpu.memory_space<hbm>>) target(%dma_start3A_374 : memref<1x100xf32, #tpu.memory_space<vmem>>) target_semaphore(%arg7 : memref<!tpu.dma_semaphore, #tpu.memory_space<semaphore_mem>>)
      %eq3A_377 = arith.constant 14 : i32
      %eq3A_378 = vector.broadcast %eq3A_377 : i32 to vector<16xi32>
      %eq3A_379 = arith.cmpi eq, %iota3A, %eq3A_378 : vector<16xi32>
      %jit3A_380 = arith.constant 0 : i32
      %broadcast_in_dim3A_381 = vector.broadcast %jit3A_380 : i32 to vector<16xi32>
      %select_n3A_382 = arith.select %eq3A_379, %get3A_11, %broadcast_in_dim3A_381 : vector<16xi1>, vector<16xi32>
      %reduce_sum3A_383 = arith.constant true
      %reduce_sum3A_384 = vector.broadcast %reduce_sum3A_383 : i1 to vector<16xi1>
      %reduce_sum3A_385 = tpu.scan <sum>, %select_n3A_382 masked %reduce_sum3A_384 : vector<16xi32>, vector<16xi1> -> vector<16xi32>
      %reduce_sum3A_386 = vector.extract %reduce_sum3A_385[15] : i32 from vector<16xi32>
      %mul3A_387 = arith.constant 16 : i32
      %mul3A_388 = arith.muli %scan3A_8, %mul3A_387 : i32
      %add3A_389 = arith.constant 14 : i32
      %add3A_390 = arith.addi %mul3A_388, %add3A_389 : i32
      %dma_start3A_391 = arith.constant 0 : i32
      %dma_start3A_392 = tpu.memref_slice %arg6[%add3A_390, %dma_start3A_391] : memref<128x100xf32, #tpu.memory_space<vmem>> -> memref<1x100xf32, #tpu.memory_space<vmem>>
      %dma_start3A_393 = arith.constant 0 : i32
      %dma_start3A_394 = tpu.memref_slice %arg2[%reduce_sum3A_386, %dma_start3A_393] : memref<1000000x100xf32, #tpu.memory_space<hbm>> -> memref<1x100xf32, #tpu.memory_space<hbm>>
      %dma_start3A_395 = arith.constant 0 : i32
      %dma_start3A_396 = tpu.memref_slice %arg6[%add3A_390, %dma_start3A_395] : memref<128x100xf32, #tpu.memory_space<vmem>> -> memref<1x100xf32, #tpu.memory_space<vmem>>
      %dma_start3A_397 = arith.constant 0 : i32
      %dma_start3A_398 = tpu.memref_slice %arg2[%reduce_sum3A_386, %dma_start3A_397] : memref<1000000x100xf32, #tpu.memory_space<hbm>> -> memref<1x100xf32, #tpu.memory_space<hbm>>
      tpu.enqueue_dma source(%dma_start3A_398 : memref<1x100xf32, #tpu.memory_space<hbm>>) target(%dma_start3A_396 : memref<1x100xf32, #tpu.memory_space<vmem>>) target_semaphore(%arg7 : memref<!tpu.dma_semaphore, #tpu.memory_space<semaphore_mem>>)
      %eq3A_399 = arith.constant 15 : i32
      %eq3A_400 = vector.broadcast %eq3A_399 : i32 to vector<16xi32>
      %eq3A_401 = arith.cmpi eq, %iota3A, %eq3A_400 : vector<16xi32>
      %jit3A_402 = arith.constant 0 : i32
      %broadcast_in_dim3A_403 = vector.broadcast %jit3A_402 : i32 to vector<16xi32>
      %select_n3A_404 = arith.select %eq3A_401, %get3A_11, %broadcast_in_dim3A_403 : vector<16xi1>, vector<16xi32>
      %reduce_sum3A_405 = arith.constant true
      %reduce_sum3A_406 = vector.broadcast %reduce_sum3A_405 : i1 to vector<16xi1>
      %reduce_sum3A_407 = tpu.scan <sum>, %select_n3A_404 masked %reduce_sum3A_406 : vector<16xi32>, vector<16xi1> -> vector<16xi32>
      %reduce_sum3A_408 = vector.extract %reduce_sum3A_407[15] : i32 from vector<16xi32>
      %mul3A_409 = arith.constant 16 : i32
      %mul3A_410 = arith.muli %scan3A_8, %mul3A_409 : i32
      %add3A_411 = arith.constant 15 : i32
      %add3A_412 = arith.addi %mul3A_410, %add3A_411 : i32
      %dma_start3A_413 = arith.constant 0 : i32
      %dma_start3A_414 = tpu.memref_slice %arg6[%add3A_412, %dma_start3A_413] : memref<128x100xf32, #tpu.memory_space<vmem>> -> memref<1x100xf32, #tpu.memory_space<vmem>>
      %dma_start3A_415 = arith.constant 0 : i32
      %dma_start3A_416 = tpu.memref_slice %arg2[%reduce_sum3A_408, %dma_start3A_415] : memref<1000000x100xf32, #tpu.memory_space<hbm>> -> memref<1x100xf32, #tpu.memory_space<hbm>>
      %dma_start3A_417 = arith.constant 0 : i32
      %dma_start3A_418 = tpu.memref_slice %arg6[%add3A_412, %dma_start3A_417] : memref<128x100xf32, #tpu.memory_space<vmem>> -> memref<1x100xf32, #tpu.memory_space<vmem>>
      %dma_start3A_419 = arith.constant 0 : i32
      %dma_start3A_420 = tpu.memref_slice %arg2[%reduce_sum3A_408, %dma_start3A_419] : memref<1000000x100xf32, #tpu.memory_space<hbm>> -> memref<1x100xf32, #tpu.memory_space<hbm>>
      tpu.enqueue_dma source(%dma_start3A_420 : memref<1x100xf32, #tpu.memory_space<hbm>>) target(%dma_start3A_418 : memref<1x100xf32, #tpu.memory_space<vmem>>) target_semaphore(%arg7 : memref<!tpu.dma_semaphore, #tpu.memory_space<semaphore_mem>>)
      %dma_wait3A_421 = arith.constant 0 : i32
      %dma_wait3A_422 = tpu.memref_slice %arg6[%add3A_258, %dma_wait3A_421] : memref<128x100xf32, #tpu.memory_space<vmem>> -> memref<1x100xf32, #tpu.memory_space<vmem>>
      %dma_wait3A_423 = arith.constant 0 : i32
      %dma_wait3A_424 = tpu.memref_slice %arg2[%reduce_sum3A_254, %dma_wait3A_423] : memref<1000000x100xf32, #tpu.memory_space<hbm>> -> memref<1x100xf32, #tpu.memory_space<hbm>>
      %dma_wait3A_425 = arith.constant 0 : i32
      %dma_wait3A_426 = tpu.memref_slice %arg6[%add3A_258, %dma_wait3A_425] : memref<128x100xf32, #tpu.memory_space<vmem>> -> memref<1x100xf32, #tpu.memory_space<vmem>>
      %dma_wait3A_427 = arith.constant 0 : i32
      %dma_wait3A_428 = tpu.memref_slice %arg2[%reduce_sum3A_254, %dma_wait3A_427] : memref<1000000x100xf32, #tpu.memory_space<hbm>> -> memref<1x100xf32, #tpu.memory_space<hbm>>
      tpu.wait_dma2 semaphore(%arg7 : memref<!tpu.dma_semaphore, #tpu.memory_space<semaphore_mem>>) src(%dma_wait3A_428 : memref<1x100xf32, #tpu.memory_space<hbm>>) dst(%dma_wait3A_426 : memref<1x100xf32, #tpu.memory_space<vmem>>)
      %dma_wait3A_429 = arith.constant 0 : i32
      %dma_wait3A_430 = tpu.memref_slice %arg6[%add3A_280, %dma_wait3A_429] : memref<128x100xf32, #tpu.memory_space<vmem>> -> memref<1x100xf32, #tpu.memory_space<vmem>>
      %dma_wait3A_431 = arith.constant 0 : i32
      %dma_wait3A_432 = tpu.memref_slice %arg2[%reduce_sum3A_276, %dma_wait3A_431] : memref<1000000x100xf32, #tpu.memory_space<hbm>> -> memref<1x100xf32, #tpu.memory_space<hbm>>
      %dma_wait3A_433 = arith.constant 0 : i32
      %dma_wait3A_434 = tpu.memref_slice %arg6[%add3A_280, %dma_wait3A_433] : memref<128x100xf32, #tpu.memory_space<vmem>> -> memref<1x100xf32, #tpu.memory_space<vmem>>
      %dma_wait3A_435 = arith.constant 0 : i32
      %dma_wait3A_436 = tpu.memref_slice %arg2[%reduce_sum3A_276, %dma_wait3A_435] : memref<1000000x100xf32, #tpu.memory_space<hbm>> -> memref<1x100xf32, #tpu.memory_space<hbm>>
      tpu.wait_dma2 semaphore(%arg7 : memref<!tpu.dma_semaphore, #tpu.memory_space<semaphore_mem>>) src(%dma_wait3A_436 : memref<1x100xf32, #tpu.memory_space<hbm>>) dst(%dma_wait3A_434 : memref<1x100xf32, #tpu.memory_space<vmem>>)
      %dma_wait3A_437 = arith.constant 0 : i32
      %dma_wait3A_438 = tpu.memref_slice %arg6[%add3A_302, %dma_wait3A_437] : memref<128x100xf32, #tpu.memory_space<vmem>> -> memref<1x100xf32, #tpu.memory_space<vmem>>
      %dma_wait3A_439 = arith.constant 0 : i32
      %dma_wait3A_440 = tpu.memref_slice %arg2[%reduce_sum3A_298, %dma_wait3A_439] : memref<1000000x100xf32, #tpu.memory_space<hbm>> -> memref<1x100xf32, #tpu.memory_space<hbm>>
      %dma_wait3A_441 = arith.constant 0 : i32
      %dma_wait3A_442 = tpu.memref_slice %arg6[%add3A_302, %dma_wait3A_441] : memref<128x100xf32, #tpu.memory_space<vmem>> -> memref<1x100xf32, #tpu.memory_space<vmem>>
      %dma_wait3A_443 = arith.constant 0 : i32
      %dma_wait3A_444 = tpu.memref_slice %arg2[%reduce_sum3A_298, %dma_wait3A_443] : memref<1000000x100xf32, #tpu.memory_space<hbm>> -> memref<1x100xf32, #tpu.memory_space<hbm>>
      tpu.wait_dma2 semaphore(%arg7 : memref<!tpu.dma_semaphore, #tpu.memory_space<semaphore_mem>>) src(%dma_wait3A_444 : memref<1x100xf32, #tpu.memory_space<hbm>>) dst(%dma_wait3A_442 : memref<1x100xf32, #tpu.memory_space<vmem>>)
      %dma_wait3A_445 = arith.constant 0 : i32
      %dma_wait3A_446 = tpu.memref_slice %arg6[%add3A_324, %dma_wait3A_445] : memref<128x100xf32, #tpu.memory_space<vmem>> -> memref<1x100xf32, #tpu.memory_space<vmem>>
      %dma_wait3A_447 = arith.constant 0 : i32
      %dma_wait3A_448 = tpu.memref_slice %arg2[%reduce_sum3A_320, %dma_wait3A_447] : memref<1000000x100xf32, #tpu.memory_space<hbm>> -> memref<1x100xf32, #tpu.memory_space<hbm>>
      %dma_wait3A_449 = arith.constant 0 : i32
      %dma_wait3A_450 = tpu.memref_slice %arg6[%add3A_324, %dma_wait3A_449] : memref<128x100xf32, #tpu.memory_space<vmem>> -> memref<1x100xf32, #tpu.memory_space<vmem>>
      %dma_wait3A_451 = arith.constant 0 : i32
      %dma_wait3A_452 = tpu.memref_slice %arg2[%reduce_sum3A_320, %dma_wait3A_451] : memref<1000000x100xf32, #tpu.memory_space<hbm>> -> memref<1x100xf32, #tpu.memory_space<hbm>>
      tpu.wait_dma2 semaphore(%arg7 : memref<!tpu.dma_semaphore, #tpu.memory_space<semaphore_mem>>) src(%dma_wait3A_452 : memref<1x100xf32, #tpu.memory_space<hbm>>) dst(%dma_wait3A_450 : memref<1x100xf32, #tpu.memory_space<vmem>>)
      %dma_wait3A_453 = arith.constant 0 : i32
      %dma_wait3A_454 = tpu.memref_slice %arg6[%add3A_346, %dma_wait3A_453] : memref<128x100xf32, #tpu.memory_space<vmem>> -> memref<1x100xf32, #tpu.memory_space<vmem>>
      %dma_wait3A_455 = arith.constant 0 : i32
      %dma_wait3A_456 = tpu.memref_slice %arg2[%reduce_sum3A_342, %dma_wait3A_455] : memref<1000000x100xf32, #tpu.memory_space<hbm>> -> memref<1x100xf32, #tpu.memory_space<hbm>>
      %dma_wait3A_457 = arith.constant 0 : i32
      %dma_wait3A_458 = tpu.memref_slice %arg6[%add3A_346, %dma_wait3A_457] : memref<128x100xf32, #tpu.memory_space<vmem>> -> memref<1x100xf32, #tpu.memory_space<vmem>>
      %dma_wait3A_459 = arith.constant 0 : i32
      %dma_wait3A_460 = tpu.memref_slice %arg2[%reduce_sum3A_342, %dma_wait3A_459] : memref<1000000x100xf32, #tpu.memory_space<hbm>> -> memref<1x100xf32, #tpu.memory_space<hbm>>
      tpu.wait_dma2 semaphore(%arg7 : memref<!tpu.dma_semaphore, #tpu.memory_space<semaphore_mem>>) src(%dma_wait3A_460 : memref<1x100xf32, #tpu.memory_space<hbm>>) dst(%dma_wait3A_458 : memref<1x100xf32, #tpu.memory_space<vmem>>)
      %dma_wait3A_461 = arith.constant 0 : i32
      %dma_wait3A_462 = tpu.memref_slice %arg6[%add3A_368, %dma_wait3A_461] : memref<128x100xf32, #tpu.memory_space<vmem>> -> memref<1x100xf32, #tpu.memory_space<vmem>>
      %dma_wait3A_463 = arith.constant 0 : i32
      %dma_wait3A_464 = tpu.memref_slice %arg2[%reduce_sum3A_364, %dma_wait3A_463] : memref<1000000x100xf32, #tpu.memory_space<hbm>> -> memref<1x100xf32, #tpu.memory_space<hbm>>
      %dma_wait3A_465 = arith.constant 0 : i32
      %dma_wait3A_466 = tpu.memref_slice %arg6[%add3A_368, %dma_wait3A_465] : memref<128x100xf32, #tpu.memory_space<vmem>> -> memref<1x100xf32, #tpu.memory_space<vmem>>
      %dma_wait3A_467 = arith.constant 0 : i32
      %dma_wait3A_468 = tpu.memref_slice %arg2[%reduce_sum3A_364, %dma_wait3A_467] : memref<1000000x100xf32, #tpu.memory_space<hbm>> -> memref<1x100xf32, #tpu.memory_space<hbm>>
      tpu.wait_dma2 semaphore(%arg7 : memref<!tpu.dma_semaphore, #tpu.memory_space<semaphore_mem>>) src(%dma_wait3A_468 : memref<1x100xf32, #tpu.memory_space<hbm>>) dst(%dma_wait3A_466 : memref<1x100xf32, #tpu.memory_space<vmem>>)
      %dma_wait3A_469 = arith.constant 0 : i32
      %dma_wait3A_470 = tpu.memref_slice %arg6[%add3A_390, %dma_wait3A_469] : memref<128x100xf32, #tpu.memory_space<vmem>> -> memref<1x100xf32, #tpu.memory_space<vmem>>
      %dma_wait3A_471 = arith.constant 0 : i32
      %dma_wait3A_472 = tpu.memref_slice %arg2[%reduce_sum3A_386, %dma_wait3A_471] : memref<1000000x100xf32, #tpu.memory_space<hbm>> -> memref<1x100xf32, #tpu.memory_space<hbm>>
      %dma_wait3A_473 = arith.constant 0 : i32
      %dma_wait3A_474 = tpu.memref_slice %arg6[%add3A_390, %dma_wait3A_473] : memref<128x100xf32, #tpu.memory_space<vmem>> -> memref<1x100xf32, #tpu.memory_space<vmem>>
      %dma_wait3A_475 = arith.constant 0 : i32
      %dma_wait3A_476 = tpu.memref_slice %arg2[%reduce_sum3A_386, %dma_wait3A_475] : memref<1000000x100xf32, #tpu.memory_space<hbm>> -> memref<1x100xf32, #tpu.memory_space<hbm>>
      tpu.wait_dma2 semaphore(%arg7 : memref<!tpu.dma_semaphore, #tpu.memory_space<semaphore_mem>>) src(%dma_wait3A_476 : memref<1x100xf32, #tpu.memory_space<hbm>>) dst(%dma_wait3A_474 : memref<1x100xf32, #tpu.memory_space<vmem>>)
      %dma_wait3A_477 = arith.constant 0 : i32
      %dma_wait3A_478 = tpu.memref_slice %arg6[%add3A_412, %dma_wait3A_477] : memref<128x100xf32, #tpu.memory_space<vmem>> -> memref<1x100xf32, #tpu.memory_space<vmem>>
      %dma_wait3A_479 = arith.constant 0 : i32
      %dma_wait3A_480 = tpu.memref_slice %arg2[%reduce_sum3A_408, %dma_wait3A_479] : memref<1000000x100xf32, #tpu.memory_space<hbm>> -> memref<1x100xf32, #tpu.memory_space<hbm>>
      %dma_wait3A_481 = arith.constant 0 : i32
      %dma_wait3A_482 = tpu.memref_slice %arg6[%add3A_412, %dma_wait3A_481] : memref<128x100xf32, #tpu.memory_space<vmem>> -> memref<1x100xf32, #tpu.memory_space<vmem>>
      %dma_wait3A_483 = arith.constant 0 : i32
      %dma_wait3A_484 = tpu.memref_slice %arg2[%reduce_sum3A_408, %dma_wait3A_483] : memref<1000000x100xf32, #tpu.memory_space<hbm>> -> memref<1x100xf32, #tpu.memory_space<hbm>>
      tpu.wait_dma2 semaphore(%arg7 : memref<!tpu.dma_semaphore, #tpu.memory_space<semaphore_mem>>) src(%dma_wait3A_484 : memref<1x100xf32, #tpu.memory_space<hbm>>) dst(%dma_wait3A_482 : memref<1x100xf32, #tpu.memory_space<vmem>>)
    }
    %scan3A_7 = arith.constant 8 : i32
    "tpu.region"() ({
      %run_scoped3A = tpu.sem_alloc : memref<!tpu.dma_semaphore, #tpu.memory_space<semaphore_mem>>
      %dma_start3A = arith.constant 0 : i32
      %dma_start3A_8 = tpu.memref_slice %arg4[%mul3A_2, %dma_start3A] : memref<4096x100xf32, #tpu.memory_space<hbm>> -> memref<128x100xf32, #tpu.memory_space<hbm>>
      %dma_start3A_9 = arith.constant 0 : i32
      %dma_start3A_10 = tpu.memref_slice %arg4[%mul3A_2, %dma_start3A_9] : memref<4096x100xf32, #tpu.memory_space<hbm>> -> memref<128x100xf32, #tpu.memory_space<hbm>>
      tpu.enqueue_dma source(%arg6 : memref<128x100xf32, #tpu.memory_space<vmem>>) target(%dma_start3A_10 : memref<128x100xf32, #tpu.memory_space<hbm>>) target_semaphore(%run_scoped3A : memref<!tpu.dma_semaphore, #tpu.memory_space<semaphore_mem>>)
      %dma_wait3A = arith.constant 0 : i32
      %dma_wait3A_11 = tpu.memref_slice %arg4[%mul3A_2, %dma_wait3A] : memref<4096x100xf32, #tpu.memory_space<hbm>> -> memref<128x100xf32, #tpu.memory_space<hbm>>
      %dma_wait3A_12 = arith.constant 0 : i32
      %dma_wait3A_13 = tpu.memref_slice %arg4[%mul3A_2, %dma_wait3A_12] : memref<4096x100xf32, #tpu.memory_space<hbm>> -> memref<128x100xf32, #tpu.memory_space<hbm>>
      tpu.wait_dma2 semaphore(%run_scoped3A : memref<!tpu.dma_semaphore, #tpu.memory_space<semaphore_mem>>) src(%arg6 : memref<128x100xf32, #tpu.memory_space<vmem>>) dst(%dma_wait3A_13 : memref<128x100xf32, #tpu.memory_space<hbm>>)
      tpu.yield
    }) : () -> ()
    return
  }
}

module attributes {stable_mosaic.version = 14 : i64} {
  func.func @_loss_body(%arg0: memref<4096x100xf32, #tpu.memory_space<vmem>>, %arg1: memref<4096x100xf32, #tpu.memory_space<vmem>>, %arg2: memref<4096x1xi32, #tpu.memory_space<vmem>>, %arg3: memref<1x1xf32, #tpu.memory_space<vmem>>) attributes {dimension_semantics = [], scalar_prefetch = 0 : i64, scratch_operands = 0 : i64, tpu.core_type = #tpu.core_type<tc>} {
    %get3A = arith.constant 0 : index
    %get3A_0 = arith.constant 0 : index
    %get3A_1 = vector.load %arg0[%get3A, %get3A_0] : memref<4096x100xf32, #tpu.memory_space<vmem>>, vector<4096x100xf32>
    %get3A_2 = arith.constant 0 : index
    %get3A_3 = arith.constant 0 : index
    %get3A_4 = vector.load %arg2[%get3A_2, %get3A_3] : memref<4096x1xi32, #tpu.memory_space<vmem>>, vector<4096x1xi32>
    %reduce_max3A = arith.constant dense<0xFF800000> : vector<4096xf32>
    %reduce_max3A_5 = vector.multi_reduction <maximumf>, %get3A_1, %reduce_max3A [1] : vector<4096x100xf32> to vector<4096xf32>
    %broadcast_in_dim3A = vector.shape_cast %reduce_max3A_5 : vector<4096xf32> to vector<4096x1xf32>
    %sub3A = vector.broadcast %broadcast_in_dim3A : vector<4096x1xf32> to vector<4096x100xf32>
    %sub3A_6 = arith.subf %get3A_1, %sub3A : vector<4096x100xf32>
    %exp3A = math.exp %sub3A_6 : vector<4096x100xf32>
    %reduce_sum3A = arith.constant dense<0.000000e+00> : vector<4096xf32>
    %reduce_sum3A_7 = vector.multi_reduction <add>, %exp3A, %reduce_sum3A [1] : vector<4096x100xf32> to vector<4096xf32>
    %broadcast_in_dim3A_8 = vector.shape_cast %reduce_sum3A_7 : vector<4096xf32> to vector<4096x1xf32>
    %log3A = math.log %broadcast_in_dim3A_8 : vector<4096x1xf32>
    %add3A = arith.addf %broadcast_in_dim3A, %log3A : vector<4096x1xf32>
    %iota3A = tpu.iota {dimensions = array<i32: 1>} : vector<4096x100xi32>
    %eq3A = vector.broadcast %get3A_4 : vector<4096x1xi32> to vector<4096x100xi32>
    %eq3A_9 = arith.cmpi eq, %iota3A, %eq3A : vector<4096x100xi32>
    %jit3A = arith.constant 0.000000e+00 : f32
    %broadcast_in_dim3A_10 = vector.broadcast %jit3A : f32 to vector<4096x100xf32>
    %select_n3A = arith.select %eq3A_9, %get3A_1, %broadcast_in_dim3A_10 : vector<4096x100xi1>, vector<4096x100xf32>
    %reduce_sum3A_11 = arith.constant dense<0.000000e+00> : vector<4096xf32>
    %reduce_sum3A_12 = vector.multi_reduction <add>, %select_n3A, %reduce_sum3A_11 [1] : vector<4096x100xf32> to vector<4096xf32>
    %broadcast_in_dim3A_13 = vector.shape_cast %reduce_sum3A_12 : vector<4096xf32> to vector<4096x1xf32>
    %sub3A_14 = arith.subf %add3A, %broadcast_in_dim3A_13 : vector<4096x1xf32>
    %reduce_sum3A_15 = vector.shape_cast %sub3A_14 : vector<4096x1xf32> to vector<1x4096x1xf32>
    %reduce_sum3A_16 = arith.constant dense<0.000000e+00> : vector<1xf32>
    %reduce_sum3A_17 = vector.multi_reduction <add>, %reduce_sum3A_15, %reduce_sum3A_16 [1, 2] : vector<1x4096x1xf32> to vector<1xf32>
    %reduce_sum3A_18 = vector.shape_cast %reduce_sum3A_17 : vector<1xf32> to vector<1x1x1xf32>
    %reduce_sum3A_19 = vector.extract %reduce_sum3A_18[0, 0, 0] : f32 from vector<1x1x1xf32>
    %div3A = vector.broadcast %broadcast_in_dim3A_8 : vector<4096x1xf32> to vector<4096x100xf32>
    %div3A_20 = arith.divf %exp3A, %div3A : vector<4096x100xf32>
    %jit3A_21 = arith.constant 9.99999974E-5 : f32
    %jit3A_22 = arith.constant 0.999899983 : f32
    %max3A = vector.broadcast %jit3A_21 : f32 to vector<4096x100xf32>
    %max3A_23 = arith.maximumf %max3A, %div3A_20 : vector<4096x100xf32>
    %min3A = vector.broadcast %jit3A_22 : f32 to vector<4096x100xf32>
    %min3A_24 = arith.minimumf %min3A, %max3A_23 : vector<4096x100xf32>
    %reduce_sum3A_25 = arith.constant dense<0.000000e+00> : vector<4096xf32>
    %reduce_sum3A_26 = vector.multi_reduction <add>, %min3A_24, %reduce_sum3A_25 [1] : vector<4096x100xf32> to vector<4096xf32>
    %broadcast_in_dim3A_27 = vector.shape_cast %reduce_sum3A_26 : vector<4096xf32> to vector<4096x1xf32>
    %get3A_28 = arith.constant 0 : index
    %get3A_29 = arith.constant 0 : index
    %get3A_30 = vector.load %arg1[%get3A_28, %get3A_29] : memref<4096x100xf32, #tpu.memory_space<vmem>>, vector<4096x100xf32>
    %mul3A = arith.constant 0.699999988 : f32
    %mul3A_31 = vector.broadcast %mul3A : f32 to vector<4096x100xf32>
    %mul3A_32 = arith.mulf %mul3A_31, %get3A_30 : vector<4096x100xf32>
    %div3A_33 = vector.broadcast %broadcast_in_dim3A_27 : vector<4096x1xf32> to vector<4096x100xf32>
    %div3A_34 = arith.divf %min3A_24, %div3A_33 : vector<4096x100xf32>
    %mul3A_35 = arith.constant 3.000000e-01 : f32
    %mul3A_36 = vector.broadcast %mul3A_35 : f32 to vector<4096x100xf32>
    %mul3A_37 = arith.mulf %mul3A_36, %div3A_34 : vector<4096x100xf32>
    %add3A_38 = arith.addf %mul3A_32, %mul3A_37 : vector<4096x100xf32>
    %mul3A_39 = arith.mulf %add3A_38, %min3A_24 : vector<4096x100xf32>
    %reduce_sum3A_40 = arith.constant dense<0.000000e+00> : vector<4096xf32>
    %reduce_sum3A_41 = vector.multi_reduction <add>, %mul3A_39, %reduce_sum3A_40 [1] : vector<4096x100xf32> to vector<4096xf32>
    %broadcast_in_dim3A_42 = vector.shape_cast %reduce_sum3A_41 : vector<4096xf32> to vector<4096x1xf32>
    %sub3A_43 = arith.constant 1.000000e+00 : f32
    %sub3A_44 = vector.broadcast %sub3A_43 : f32 to vector<4096x1xf32>
    %sub3A_45 = arith.subf %sub3A_44, %broadcast_in_dim3A_42 : vector<4096x1xf32>
    %log3A_46 = math.log %sub3A_45 : vector<4096x1xf32>
    %reduce_sum3A_47 = vector.shape_cast %log3A_46 : vector<4096x1xf32> to vector<1x4096x1xf32>
    %reduce_sum3A_48 = arith.constant dense<0.000000e+00> : vector<1xf32>
    %reduce_sum3A_49 = vector.multi_reduction <add>, %reduce_sum3A_47, %reduce_sum3A_48 [1, 2] : vector<1x4096x1xf32> to vector<1xf32>
    %reduce_sum3A_50 = vector.shape_cast %reduce_sum3A_49 : vector<1xf32> to vector<1x1x1xf32>
    %reduce_sum3A_51 = vector.extract %reduce_sum3A_50[0, 0, 0] : f32 from vector<1x1x1xf32>
    %div3A_52 = arith.constant 4.096000e+03 : f32
    %div3A_53 = arith.divf %reduce_sum3A_19, %div3A_52 : f32
    %div3A_54 = arith.constant 4.096000e+03 : f32
    %div3A_55 = arith.divf %reduce_sum3A_51, %div3A_54 : f32
    %mul3A_56 = arith.constant 3.000000e+00 : f32
    %mul3A_57 = arith.mulf %mul3A_56, %div3A_55 : f32
    %add3A_58 = arith.addf %div3A_53, %mul3A_57 : f32
    %broadcast_in_dim3A_59 = vector.broadcast %add3A_58 : f32 to vector<1x1xf32>
    %swap3A = arith.constant 0 : index
    %swap3A_60 = arith.constant 0 : index
    %swap3A_61 = vector.load %arg3[%swap3A, %swap3A_60] : memref<1x1xf32, #tpu.memory_space<vmem>>, vector<1x1xf32>
    tpu.vector_store %arg3[%swap3A, %swap3A_60], %broadcast_in_dim3A_59 {strides = array<i32>} : memref<1x1xf32, #tpu.memory_space<vmem>>, vector<1x1xf32>,
    return
  }
}

</mosaic_0001>

<sc_bundles>
// kernel: kernel.4.cloned.1.call-start
scs
__scs_entry_jumppad:
0x0: {  	(pc) =	sbr.rel $0x88, $3  }
0x1: {  	(tag) =	ssettag $0x0;
	lr =	simm.s32 $0x1  }
0x2: {  	[smem:$0x3F9D] =	sst lr;
	_ =	strace $0xD0000000  }
0x3: {  	_ = 	snop  }
0x4: {  	_ = 	snop  }
0x5: {  	_ = 	snop  }
0x6: {  	_ = 	snop  }
0x7: {  	_ = 	snop  }
__scs_overlays_trampoline_lowered:
0x8: {  	[smem:$0x3FAC] =	sst s0  }
0x9: {  	[smem:$0x3FAD] =	sst s1  }
0xa: {  	[smem:$0x3FAE] =	sst s2  }
0xb: {  	[smem:$0x3FAF] =	sst s3  }
0xc: {  	[smem:$0x3FB0] =	sst s4  }
0xd: {  	[smem:$0x3FB1] =	sst s5  }
0xe: {  	[smem:$0x3FB2] =	sst s6  }
0xf: {  	[smem:$0x3FB3] =	sst s7  }
0x10: {  	[smem:$0x3FB4] =	sst s8  }
0x11: {  	[smem:$0x3FB5] =	sst s9;
	s0 =	simm.s32 @!p0 $0x0  }
0x12: {  	s1 =	sld [smem:$0x3F9B];
	s0 =	simm.s32 @p0 $0x1  }
0x13: {  	[smem:$0x3FB6] =	sst s0;
	s0 =	simm.s32 @!p1 $0x0  }
0x14: {  	s2 =	sld [smem:$0x3F9A];
	s0 =	simm.s32 @p1 $0x1  }
0x15: {  	[smem:$0x3FB7] =	sst s0;
	s0 =	simm.s32 @!p2 $0x0  }
0x16: {  	s3 =	sld [smem:$0x3FDB];
	s0 =	simm.s32 @p2 $0x1  }
0x17: {  	s4 =	simm.s32 $0x1BF5;
	[smem:$0x3FB9] =	sst s0  }
0x18: {  	s0 =	sld [smem:$0x3F9C];
	_ =	swait.ge [sflag:s4], $0x0  }
0x19: {  	s7 =	sld [smem:$0x3F9D]  }
0x1a: {  	s8 =	sadd.s32 $0xFFFFE003, lr  }
0x1b: {  	s9 =	sadd.s32 $0xFFFFFEF7, lr;
	s5 =	simm.s32 $0xFFFFFFFF;
	p2 =	slt.u32 s8, $0xFFFFF086  }
0x1c: {  	p1 =	slt.u32 s9, $0xF7A;
	s5 =	simm.s32 @!p2 $0x0  }
0x1d: {  	s5 =	simm.s32 @p1 $0x1;
	p0 =	seq.s32 s7, s2  }
0x1e: {  	s7 =	smul.u32 @!p0 $0xF7A, s2;
	p2 =	seq.s32 @!p0 s5, $0x0  }
0x1f: {  	s9 =	smul.u32 $0xF7A, s1;
	s8 =	simm.s32 @!p0 $0x1BF5;
	p2 =	por !p2, p0  }
0x20: {  	[sflag:s8] =	ssyncset.s32 @!p0 $0xFFFFF086;
	s6 =	sadd.s32 @!p0 s3, s7;
	s7 =	simm.s32 @!p0 $0x108  }
0x21: {  	s3 =	sadd.s32 s3, s9;
	s6 =	sadd.s32 @!p0 $0x88, s6;
	s7 =	simm.s32 @p2 $0x1082  }
0x22: {  	[simem:s7], [sflag:s8] =	dma.local @!p0 [hbm:s6], $0xF7A  }
0x23: {  	s9 =	sor.u32 $0xD0000000, s2;
	s6 =	simm.s32 $0x108;
	_ =	swait.ge @!p0 [sflag:s8], $0x0  }
0x24: {  	s3 =	sadd.s32 $0x88, s3;
	s6 =	simm.s32 @!p1 $0x1082;
	[sflag:s4] =	ssyncset.s32 $0xFFFFF086  }
0x25: {  	[simem:s6], [sflag:s4] =	dma.local [hbm:s3], $0xF7A  }
0x26: {  	[smem:$0x3F9D] =	sst s1;
	(tag) =	ssettag s2;
	_ =	strace s9  }
0x27: {  	s1 =	sld [smem:$0x3FAD]  }
0x28: {  	s2 =	sld [smem:$0x3FAE]  }
0x29: {  	s4 =	sld [smem:$0x3FB0]  }
0x2a: {  	p0 =	seq.s32 s5, $0x0;
	s5 =	sld [smem:$0x3FB1]  }
0x2b: {  	s6 =	sld [smem:$0x3FB2]  }
0x2c: {  	s7 =	sld [smem:$0x3FB3]  }
0x2d: {  	s3 =	simm.s32 $0x108;
	s8 =	sld [smem:$0x3FB4]  }
0x2e: {  	s3 =	simm.s32 @!p0 $0x1082;
	s9 =	sld [smem:$0x3FB5]  }
0x2f: {  	lr =	sadd.s32 s0, s3;
	s0 =	sld [smem:$0x3FAC]  }
0x30: {  	s3 =	sld [smem:$0x3FAF]  }
0x31: {  	[smem:$0x3FB8] =	sst s10  }
0x32: {  	s10 =	sld [smem:$0x3FB6];
	_ =	sdelay $0x3  }
0x33: {  	p0 =	seq.s32 s10, $0x1;
	s10 =	sld [smem:$0x3FB8];
	_ =	sdelay $0x3  }
0x34: {  	[smem:$0x3FB8] =	sst s10  }
0x35: {  	s10 =	sld [smem:$0x3FB7];
	_ =	sdelay $0x3  }
0x36: {  	p1 =	seq.s32 s10, $0x1;
	s10 =	sld [smem:$0x3FB8];
	_ =	sdelay $0x3  }
0x37: {  	[smem:$0x3FB8] =	sst s10  }
0x38: {  	s10 =	sld [smem:$0x3FB9]  }
0x39: {  	_ = 	snop;
	(pc) =	sbr.ind lr, $3  }
0x3a: {  	_ = 	snop  }
0x3b: {  	_ = 	snop  }
0x3c: {  	p2 =	seq.s32 s10, $0x1;
	s10 =	sld [smem:$0x3FB8]  }
0x3d: {  	_ =	shalt  }
0x3e: {  	_ =	shalt  }
0x3f: {  	_ =	shalt  }
0x40: {  	_ =	shalt  }
0x41: {  	_ =	shalt  }
0x42: {  	_ =	shalt  }
0x43: {  	_ =	shalt  }
0x44: {  	_ =	shalt  }
0x45: {  	_ =	shalt  }
0x46: {  	_ =	shalt  }
0x47: {  	_ =	shalt  }
0x48: {  	_ =	shalt  }
0x49: {  	_ =	shalt  }
0x4a: {  	_ =	shalt  }
0x4b: {  	_ =	shalt  }
0x4c: {  	_ =	shalt  }
0x4d: {  	_ =	shalt  }
0x4e: {  	_ =	shalt  }
0x4f: {  	_ =	shalt  }
0x50: {  	_ =	shalt  }
0x51: {  	_ =	shalt  }
0x52: {  	_ =	shalt  }
0x53: {  	_ =	shalt  }
0x54: {  	_ =	shalt  }
0x55: {  	_ =	shalt  }
0x56: {  	_ =	shalt  }
0x57: {  	_ =	shalt  }
0x58: {  	_ =	shalt  }
0x59: {  	_ =	shalt  }
0x5a: {  	_ =	shalt  }
0x5b: {  	_ =	shalt  }
0x5c: {  	_ =	shalt  }
0x5d: {  	_ =	shalt  }
0x5e: {  	_ =	shalt  }
0x5f: {  	_ =	shalt  }
0x60: {  	_ =	shalt  }
0x61: {  	_ =	shalt  }
0x62: {  	_ =	shalt  }
0x63: {  	_ =	shalt  }
0x64: {  	_ =	shalt  }
0x65: {  	_ =	shalt  }
0x66: {  	_ =	shalt  }
0x67: {  	_ =	shalt  }
0x68: {  	_ =	shalt  }
0x69: {  	_ =	shalt  }
0x6a: {  	_ =	shalt  }
0x6b: {  	_ =	shalt  }
0x6c: {  	_ =	shalt  }
0x6d: {  	_ =	shalt  }
0x6e: {  	_ =	shalt  }
0x6f: {  	_ =	shalt  }
0x70: {  	_ =	shalt  }
0x71: {  	_ =	shalt  }
0x72: {  	_ =	shalt  }
0x73: {  	_ =	shalt  }
0x74: {  	_ =	shalt  }
0x75: {  	_ =	shalt  }
0x76: {  	_ =	shalt  }
0x77: {  	_ =	shalt  }
0x78: {  	_ =	shalt  }
0x79: {  	_ =	shalt  }
0x7a: {  	_ =	shalt  }
0x7b: {  	_ =	shalt  }
0x7c: {  	_ =	shalt  }
0x7d: {  	_ =	shalt  }
0x7e: {  	_ =	shalt  }
0x7f: {  	_ =	shalt  }
0x80: {  	_ =	shalt  }
0x81: {  	_ =	shalt  }
0x82: {  	_ =	shalt  }
0x83: {  	_ =	shalt  }
0x84: {  	_ =	shalt  }
0x85: {  	_ =	shalt  }
0x86: {  	_ =	shalt  }
0x87: {  	_ =	shalt  }
.Lfunc_end0:
.L_simem_size_0:
called_computation_lowered:
.L_overlay_start_0:
0x88: {  	s2 =	sld [smem:$0x3FD9]  }
0x89: {  	s3 =	sld [smem:$0x3FFE];
	_ =	sdelay $0x1  }
0x8a: {  	s1 =	srdreg.scid  }
0x8b: {  	s0 =	sand.u32 $0x1, s1  }
0x8c: {  	s17 =	sshll.u32 s0, $0xA;
	s2 =	sadd.s32 s3, s2  }
0x8d: {  	s2 =	sadd.s32 s2, s17  }
0x8e: {  	[smem:$0x3FC4] =	sst s2  }
0x8f: {  	_ = 	snop  }
0x90: {  	s2 =	sld [smem:$0x3FC6];
	(tm) =	ssettm $0x1  }
0x91: {  	s18 =	sld [smem:$0x3FFB];
	_ =	sdelay $0x3  }
0x92: {  	_ =	strace s18  }
0x93: {  	s3 =	sld [smem:$0x3FFC];
	_ =	sdelay $0x3  }
0x94: {  	_ =	strace s3  }
0x95: {  	s3 =	sld [smem:$0x3FFD];
	_ =	sdelay $0x3  }
0x96: {  	_ =	strace s3  }
0x97: {  	_ =	strace $0x8FFFFFFF  }
0x98: {  	s19 =	sld [smem:$0x3FDB];
	_ =	sdelay $0x1  }
0x99: {  	s4 =	simm.s32 $_scs_section_size  }
0x9a: {  	s5 =	simm.s32 $_size__tile_overlayer_lowered;
	s6 =	simm.s32 $_tile_overlayer_lowered  }
0x9b: {  	s22 =	simm.s32 $0x1BFF;
	s21 =	sshll.u32 s6, $0x1;
	s3 =	sadd.s32 s4, s19  }
0x9c: {  	s7 =	simm.s32 $0x0;
	s20 =	sshll.u32 s5, $0x1;
	s5 =	sadd.s32 s21, s3  }
0x9d: {  	[timem:s7], [sflag:s22] =	dma.local [hbm:s5], s20  }
0x9e: {  	_ =	swait.ge [sflag:s22], s20  }
0x9f: {  	s4 =	ssub.s32 $0x0, s20;
	[sflag:s22] =	ssyncset.done $0x0  }
0xa0: {  	[sflag:s22] =	ssyncadd.s32 s4;
	_ =	sdelay $0x1  }
0xa1: {  	s23 =	simm.s32 $0x1B8B  }
0xa2: {  	_ =	swait.ge [sflag:s23], $0x1  }
0xa3: {  	[sflag:s23] =	ssyncset.done $0x0  }
0xa4: {  	s25 =	simm.s32 $0x1B8E;
	s24 =	sld [smem:$0x3FFE];
	[sflag:s23] =	ssyncadd.s32 $0xFFFFFFFF  }
0xa5: {  	s26 =	simm.s32 $execute0_lowered;
	[smem:$0x3FD2] =	sst s25  }
0xa6: {  	s5 =	sshll.u32 s26, $0x1;
	_ =	strace $0x80000046;
	[dreg:$0x1] =	wrdreg $0xFFFFFFFF  }
0xa7: {  	s28 =	simm.s32 $_size_execute0_lowered;
	s3 =	sadd.s32 s3, s5;
	[dreg:$0x0] =	wrdreg $0x0  }
0xa8: {  	s5 =	sshll.u32 s28, $0x1;
	[dreg:$0x2] =	wrdreg s3  }
0xa9: {  	[dreg:$0x3] =	wrdreg s5  }
0xaa: {  	[dreg:$0x4] =	wrdreg $0xC0  }
0xab: {  	_ =	task [dreg:s7], $0x5FFFF  }
0xac: {  	[dreg:$0x1] =	wrdreg $0xFFFFFFFF  }
0xad: {  	[dreg:$0x0] =	wrdreg $0x60  }
0xae: {  	[dreg:$0x2] =	wrdreg s24  }
0xaf: {  	[dreg:$0x3] =	wrdreg s2  }
0xb0: {  	[dreg:$0x4] =	wrdreg $0x9  }
0xb1: {  	_ =	task.clear_ibuf [dreg:s7], $0x5FFFF;
	_ =	strace $0x90000046  }
0xb2: {  	s29 =	simm.s32 $0x9;
	_ =	strace $0x80000048  }
0xb3: {  	_ =	swait.ge [sflag:s29], $0x1  }
0xb4: {  	[sflag:s29] =	ssyncadd.s32 $0xFFFFFFFF  }
0xb5: {  	_ =	strace $0x90000048  }
0xb6: {  	_ =	sfence  }
0xb7: {  	s30 =	sld [smem:$0x0];
	_ =	sdelay $0x2  }
0xb8: {  	s31 =	sshll.u32 s1, $0xD;
	s1 =	sshrl.u32 s1, $0x2  }
0xb9: {  	s3 =	sand.u32 $0x4000, s31;
	s1 =	sadd.s32 s1, s30  }
0xba: {  	s0 =	sor.u32 s3, s0;
	s1 =	sshll.u32 s1, $0x11  }
0xbb: {  	s0 =	sor.u32 s1, s0  }
0xbc: {  	s0 =	sadd.s32 $0x8F2B, s0  }
0xbd: {  	[sflag:s0] =	ssyncadd.remote.s32 $0x1  }
0xbe: {  	_ =	sfence.sel $0xFFFF  }
0xbf: {  	[dreg:$0x0] =	wrdreg $0xFFFFFFFF;
	(pc) =	sbr.abs _section_cstart, $3  }
0xc0: {  	[dreg:$0x1] =	wrdreg $0xFFFFFFFF  }
0xc1: {  	_ =	task.clear_ibuf [dreg:s7], $0x2FFFF;
	_ =	strace $0x9FFFFFFF  }
0xc2: {  	(tm) =	ssettm $0x7FFFFFFF  }
0xc3: {  	_ =	shalt  }
tec
execute0_lowered:
.L_overlay_start_1:
0x0: {  	(tag) =	ssettag $0x1  }
0x1: {  	s4 =	rddreg [dreg:$0x0]  }
0x2: {  	s5 =	rddreg [dreg:$0x1]  }
0x3: {  	s0 =	rddreg [dreg:$0x2];
	s2 =	simm.s32 $0x0;
	s3 =	srdreg.scid  }
0x4: {  	s1 =	stileid.u32;
	s10 =	simm.s32 $0x0;
	s6 =	sand.u32 $0x1, s3  }
0x5: {  	vm0 =	vmmov $0x1;
	[smem:$0x7FF] =	sst s2;
	s7 =	sshll.u32 s1, $0x8;
	s8 =	sshll.u32 s6, $0x7  }
0x6: {  	vm1 =	vcmask $0x308;
	vm2 =	vcmask $0x70C;
	vm3 =	vcmask $0xB10;
	s3 =	sadd.s32 $0xA00, s4;
	s6 =	ssub.s32 $0x2, s6;
	s7 =	sor.u32 s8, s7  }
0x7: {  	vm4 =	vcmask $0xF14;
	vm5 =	vcmask $0x1318;
	vm6 =	vcmask $0x171C;
	_ =	strace $0x80000047;
	s9 =	sshrl.u32 s6, $0x1;
	s8 =	sshll.u32 s7, $0x4  }
0x8: {  	vm7 =	vcmask $0x1B20;
	vm8 =	vcmask $0x1F24;
	vm9 =	vcmask $0x2328;
	s7 =	sshrl.u32 s7, $0x3;
	s6 =	ssub.s32 s6, s9;
	s9 =	simm.s32 $0x80  }
0x9: {  	vm10 =	vcmask $0x272C;
	vm11 =	vcmask $0x2B30;
	vm12 =	vcmask $0x2F34;
	s8 =	sadd.s32 s8, s4;
	s4 =	sadd.s32 s5, s7;
	s6 =	smax.u32 s6, $0x1  }
0xa: {  	vm13 =	vcmask $0x3338;
	vm14 =	vcmask $0x373C;
	vm15 =	vmmov $0x7fff;
	s7 =	simm.s32 $0x2;
	s5 =	sadd.s32 $0xF42E00, s8;
	s8 =	simm.s32 $0x1  }
.LBB2_1:
0xb: {  	[tilespmem:s2], [sflag:$0x2] =	stream.linear.gather [hbm4b:s4+s2], $0x80, $0x38;
	[tilespmem:$0x4080] =	vst v63  }
0xc: {  	_ =	swait.ge [sflag:s7], $0x80  }
0xd: {  	[sflag:s7] =	ssyncset.done $0x0  }
0xe: {  	[sflag:s7] =	ssyncadd.s32 $0xFFFFFF80  }
0xf: {  	v0 =	vld [tilespmem:s2+$0x0];
	_ =	sdelay $0x4  }
0x10: {  	v1 =	vnsel vm0, $0x0, v0  }
0x11: {  	v2 =	vsel vm1, $0x0, v0;
	(xrf0) =	vadd.scan.msk.s32 $0xffff, v1  }
0x12: {  	(xrf0) =	vadd.scan.msk.s32 $0xffff, v2  }
0x13: {  	v36 =	vsel vm2, $0x0, v0  }
0x14: {  	v37 =	vsel vm7, $0x0, v0;
	(xrf0) =	vadd.scan.msk.s32 $0xffff, v36  }
0x15: {  	v38 =	vsel vm3, $0x0, v0;
	(xrf0) =	vadd.scan.msk.s32 $0xffff, v37  }
0x16: {  	v39 =	vsel vm4, $0x0, v0;
	(xrf0) =	vadd.scan.msk.s32 $0xffff, v38  }
0x17: {  	(xrf0) =	vadd.scan.msk.s32 $0xffff, v39;
	v40, _, _ =	vpop (xrf0)  }
0x18: {  	(v2sf) =	vpush v40, $0xF;
	v41, _, _ =	vpop (xrf0)  }
0x19: {  	(v2sf) =	vpush v41, $0xF  }
0x1a: {  	v43 =	vsel vm5, $0x0, v0;
	v42, _, _ =	vpop (xrf0)  }
0x1b: {  	(xrf0) =	vadd.scan.msk.s32 $0xffff, v43;
	(v2sf) =	vpush v42, $0xF;
	v44, _, _ =	vpop (xrf0)  }
0x1c: {  	v45 =	vsel vm6, $0x0, v0;
	v3, _, _ =	vpop (xrf0)  }
0x1d: {  	(xrf0) =	vadd.scan.msk.s32 $0xffff, v45;
	v46, _, _ =	vpop (xrf0);
	(v2sf) =	vpush v3, $0xF  }
0x1e: {  	(v2sf) =	vpush v46, $0xF;
	_ =	sdelay $0x2  }
0x1f: {  	v47, _, _ =	vpop (xrf0)  }
0x20: {  	(v2sf) =	vpush v47, $0xF  }
0x21: {  	v48 =	vsel vm8, $0x0, v0;
	v49, _, _ =	vpop (xrf0)  }
0x22: {  	(xrf0) =	vadd.scan.msk.s32 $0xffff, v48;
	(v2sf) =	vpush v49, $0xF  }
0x23: {  	(v2sf) =	vpush v44, $0xF  }
0x24: {  	s12 =	simm.s32 $0x180;
	s13 =	simm.s32 $0x200;
	v50 =	vsel vm9, $0x0, v0  }
0x25: {  	s14 =	simm.s32 $0x80;
	s11 =	simm.s32 $0x300;
	v51 =	vsel vm10, $0x0, v0;
	(xrf0) =	vadd.scan.msk.s32 $0xffff, v50;
	s15 =	spop (v2sf)  }
0x26: {  	s16 =	simm.s32 $0x280;
	v52 =	vsel vm11, $0x0, v0;
	(xrf0) =	vadd.scan.msk.s32 $0xffff, v51;
	s15 =	sshll.u32 s15, $0x4;
	s17 =	spop (v2sf)  }
0x27: {  	s19 =	simm.s32 $0x100;
	v53 =	vsel vm12, $0x0, v0;
	(xrf0) =	vadd.scan.msk.s32 $0xffff, v52;
	s15 =	sand.u32 $0x1FFFFFF0, s15;
	s17 =	sshll.u32 s17, $0x4  }
0x28: {  	(xrf0) =	vadd.scan.msk.s32 $0xffff, v53;
	v54, _, _ =	vpop (xrf0);
	s18 =	spop (v2sf);
	s15 =	sadd.s32 s3, s15;
	s17 =	sand.u32 $0x1FFFFFF0, s17  }
0x29: {  	v55 =	vsel vm13, $0x0, v0;
	(v2sf) =	vpush v54, $0xF;
	[tilespmem:s14], [sflag:$0x1] =	stream.linear.gather [hbm4b:s15+s2], $0x80, $0x38;
	[tilespmem:$0x4080] =	vst v63  }
0x2a: {  	v56 =	vsel vm14, $0x0, v0;
	(xrf0) =	vadd.scan.msk.s32 $0xffff, v55;
	s18 =	sshll.u32 s18, $0x4;
	s31 =	sadd.s32 s3, s17;
	s20 =	spop (v2sf)  }
0x2b: {  	(xrf0) =	vadd.scan.msk.s32 $0xffff, v56;
	v57, _, _ =	vpop (xrf0);
	s15 =	sand.u32 $0x1FFFFFF0, s18;
	s17 =	sshll.u32 s20, $0x4;
	s21 =	spop (v2sf)  }
0x2c: {  	v58, _, _ =	vpop (xrf0);
	(v2sf) =	vpush v57, $0xF;
	[tilespmem:s19], [sflag:$0x1] =	stream.linear.gather [hbm4b:s31+s2], $0x80, $0x38;
	[tilespmem:$0x4080] =	vst v63  }
0x2d: {  	(v2sf) =	vpush v58, $0xF;
	s22 =	sadd.s32 s3, s15;
	s23 =	sand.u32 $0x1FFFFFF0, s17;
	s24 =	sshll.u32 s21, $0x4  }
0x2e: {  	v0 =	vsel vm15, $0x0, v0;
	v59, _, _ =	vpop (xrf0);
	[tilespmem:s12], [sflag:$0x1] =	stream.linear.gather [hbm4b:s22+s2], $0x80, $0x38;
	[tilespmem:$0x4080] =	vst v63  }
0x2f: {  	(xrf0) =	vadd.scan.msk.s32 $0xffff, v0;
	v60, _, _ =	vpop (xrf0);
	(v2sf) =	vpush v59, $0xF;
	s25 =	sadd.s32 s3, s23;
	s26 =	sand.u32 $0x1FFFFFF0, s24;
	s28 =	spop (v2sf)  }
0x30: {  	(v2sf) =	vpush v60, $0xF;
	[tilespmem:s13], [sflag:$0x1] =	stream.linear.gather [hbm4b:s25+s2], $0x80, $0x38;
	[tilespmem:$0x4080] =	vst v63  }
0x31: {  	v61, _, _ =	vpop (xrf0);
	s29 =	sadd.s32 s3, s26;
	s30 =	sshll.u32 s28, $0x4;
	s31 =	spop (v2sf)  }
0x32: {  	v62, _, _ =	vpop (xrf0);
	(v2sf) =	vpush v61, $0xF;
	s13 =	sand.u32 $0x1FFFFFF0, s30;
	s14 =	sshll.u32 s31, $0x4;
	s15 =	spop (v2sf)  }
0x33: {  	(v2sf) =	vpush v62, $0xF;
	[tilespmem:s16], [sflag:$0x1] =	stream.linear.gather [hbm4b:s29+s2], $0x80, $0x38;
	[tilespmem:$0x4080] =	vst v63  }
0x34: {  	s12 =	sadd.s32 s3, s13;
	s13 =	sand.u32 $0x1FFFFFF0, s14;
	s14 =	sshll.u32 s15, $0x4  }
0x35: {  	v63, _, _ =	vpop (xrf0);
	[tilespmem:s11], [sflag:$0x1] =	stream.linear.gather [hbm4b:s12+s2], $0x80, $0x38;
	[tilespmem:$0x4080] =	vst v63  }
0x36: {  	(v2sf) =	vpush v63, $0xF;
	s16 =	simm.s32 $0x380;
	s17 =	sadd.s32 s3, s13;
	s18 =	sand.u32 $0x1FFFFFF0, s14  }
0x37: {  	[tilespmem:s16], [sflag:$0x1] =	stream.linear.gather [hbm4b:s17+s2], $0x80, $0x38;
	[tilespmem:$0x4080] =	vst v63  }
0x38: {  	s19 =	simm.s32 $0x400;
	s20 =	sadd.s32 s3, s18;
	s21 =	spop (v2sf)  }
0x39: {  	[tilespmem:s19], [sflag:$0x1] =	stream.linear.gather [hbm4b:s20+s2], $0x80, $0x38;
	[tilespmem:$0x4080] =	vst v63  }
0x3a: {  	_ =	swait.ge [sflag:s8], $0x80  }
0x3b: {  	s22 =	spop (v2sf);
	[sflag:s8] =	ssyncset.done $0x0  }
0x3c: {  	[sflag:s8] =	ssyncadd.s32 $0xFFFFFF80;
	s23 =	spop (v2sf)  }
0x3d: {  	_ =	swait.ge [sflag:s8], $0x80  }
0x3e: {  	s24 =	spop (v2sf);
	[sflag:s8] =	ssyncset.done $0x0  }
0x3f: {  	[sflag:s8] =	ssyncadd.s32 $0xFFFFFF80;
	s25 =	spop (v2sf)  }
0x40: {  	_ =	swait.ge [sflag:s8], $0x80  }
0x41: {  	s26 =	spop (v2sf);
	[sflag:s8] =	ssyncset.done $0x0  }
0x42: {  	[sflag:s8] =	ssyncadd.s32 $0xFFFFFF80;
	s28 =	spop (v2sf)  }
0x43: {  	_ =	swait.ge [sflag:s8], $0x80  }
0x44: {  	[sflag:s8] =	ssyncset.done $0x0  }
0x45: {  	s29 =	spop (v2sf);
	[sflag:s8] =	ssyncadd.s32 $0xFFFFFF80  }
0x46: {  	_ =	swait.ge [sflag:s8], $0x80  }
0x47: {  	[sflag:s8] =	ssyncset.done $0x0  }
0x48: {  	[sflag:s8] =	ssyncadd.s32 $0xFFFFFF80  }
0x49: {  	_ =	swait.ge [sflag:s8], $0x80  }
0x4a: {  	[sflag:s8] =	ssyncset.done $0x0  }
0x4b: {  	[sflag:s8] =	ssyncadd.s32 $0xFFFFFF80  }
0x4c: {  	s30 =	simm.s32 $0x480;
	s13 =	sshll.u32 s21, $0x4;
	_ =	swait.ge [sflag:s8], $0x80  }
0x4d: {  	s21 =	simm.s32 $0x580;
	s13 =	sand.u32 $0x1FFFFFF0, s13;
	[sflag:s8] =	ssyncset.done $0x0  }
0x4e: {  	s13 =	sadd.s32 s3, s13;
	s19 =	simm.s32 $0x500;
	[sflag:s8] =	ssyncadd.s32 $0xFFFFFF80  }
0x4f: {  	s11 =	sshll.u32 s22, $0x4;
	s12 =	sshll.u32 s23, $0x4;
	_ =	swait.ge [sflag:s8], $0x80  }
0x50: {  	s11 =	sand.u32 $0x1FFFFFF0, s11;
	s23 =	simm.s32 $0x600;
	[sflag:s8] =	ssyncset.done $0x0  }
0x51: {  	s12 =	sand.u32 $0x1FFFFFF0, s12;
	s11 =	sadd.s32 s3, s11;
	[sflag:s8] =	ssyncadd.s32 $0xFFFFFF80  }
0x52: {  	[tilespmem:s30], [sflag:$0x1] =	stream.linear.gather [hbm4b:s13+s2], $0x80, $0x38;
	[tilespmem:$0x4080] =	vst v63  }
0x53: {  	s14 =	sshll.u32 s24, $0x4;
	s12 =	sadd.s32 s3, s12;
	s15 =	sshll.u32 s25, $0x4  }
0x54: {  	[tilespmem:s19], [sflag:$0x1] =	stream.linear.gather [hbm4b:s11+s2], $0x80, $0x38;
	[tilespmem:$0x4080] =	vst v63  }
0x55: {  	s24 =	simm.s32 $0x680;
	s14 =	sand.u32 $0x1FFFFFF0, s14;
	s15 =	sand.u32 $0x1FFFFFF0, s15  }
0x56: {  	[tilespmem:s21], [sflag:$0x1] =	stream.linear.gather [hbm4b:s12+s2], $0x80, $0x38;
	[tilespmem:$0x4080] =	vst v63  }
0x57: {  	s14 =	sadd.s32 s3, s14;
	s31 =	sshll.u32 s26, $0x4;
	s25 =	sadd.s32 s3, s15  }
0x58: {  	[tilespmem:s23], [sflag:$0x1] =	stream.linear.gather [hbm4b:s14+s2], $0x80, $0x38;
	[tilespmem:$0x4080] =	vst v63  }
0x59: {  	s20 =	sand.u32 $0x1FFFFFF0, s31;
	s22 =	sshll.u32 s28, $0x4;
	s28 =	simm.s32 $0x700  }
0x5a: {  	[tilespmem:s24], [sflag:$0x1] =	stream.linear.gather [hbm4b:s25+s2], $0x80, $0x38;
	[tilespmem:$0x4080] =	vst v63  }
0x5b: {  	s26 =	sshll.u32 s29, $0x4;
	s11 =	sadd.s32 s3, s20;
	s12 =	sand.u32 $0x1FFFFFF0, s22  }
0x5c: {  	[tilespmem:s28], [sflag:$0x1] =	stream.linear.gather [hbm4b:s11+s2], $0x80, $0x38;
	[tilespmem:$0x4080] =	vst v63  }
0x5d: {  	s29 =	sand.u32 $0x1FFFFFF0, s26;
	s30 =	simm.s32 $0x780;
	s12 =	sadd.s32 s3, s12  }
0x5e: {  	[tilespmem:s30], [sflag:$0x1] =	stream.linear.gather [hbm4b:s12+s2], $0x80, $0x38;
	[tilespmem:$0x4080] =	vst v63  }
0x5f: {  	s31 =	simm.s32 $0x800;
	s11 =	sadd.s32 s3, s29  }
0x60: {  	[tilespmem:s31], [sflag:$0x1] =	stream.linear.gather [hbm4b:s11+s2], $0x80, $0x38;
	[tilespmem:$0x4080] =	vst v63  }
0x61: {  	_ =	swait.ge [sflag:s8], $0x80  }
0x62: {  	[sflag:s8] =	ssyncset.done $0x0  }
0x63: {  	[sflag:s8] =	ssyncadd.s32 $0xFFFFFF80  }
0x64: {  	_ =	swait.ge [sflag:s8], $0x80  }
0x65: {  	[sflag:s8] =	ssyncset.done $0x0  }
0x66: {  	[sflag:s8] =	ssyncadd.s32 $0xFFFFFF80  }
0x67: {  	_ =	swait.ge [sflag:s8], $0x80  }
0x68: {  	[sflag:s8] =	ssyncset.done $0x0  }
0x69: {  	[sflag:s8] =	ssyncadd.s32 $0xFFFFFF80  }
0x6a: {  	_ =	swait.ge [sflag:s8], $0x80  }
0x6b: {  	[sflag:s8] =	ssyncset.done $0x0  }
0x6c: {  	[sflag:s8] =	ssyncadd.s32 $0xFFFFFF80  }
0x6d: {  	_ =	swait.ge [sflag:s8], $0x80  }
0x6e: {  	[sflag:s8] =	ssyncset.done $0x0  }
0x6f: {  	[sflag:s8] =	ssyncadd.s32 $0xFFFFFF80  }
0x70: {  	_ =	swait.ge [sflag:s8], $0x80  }
0x71: {  	s12 =	simm.s32 $0x0;
	s11 =	simm.s32 $0x2000;
	[sflag:s8] =	ssyncset.done $0x0  }
.LBB2_2:
0x72: {  	p0 =	sne.s32 s11, $0xE000;
	[sflag:s8] =	ssyncadd.s32 $0xFFFFFF80;
	s12 =	sadd.s32 $0x10, s12  }
0x73: {  	s13 =	smov.u32 s11;
	s11 =	sadd.s32 $0x2000, s11;
	_ =	swait.ge [sflag:s8], $0x80  }
0x74: {  	[sflag:s8] =	ssyncset.done $0x0  }
0x75: {  	[sflag:s8] =	ssyncadd.s32 $0xFFFFFF80  }
0x76: {  	_ =	swait.ge [sflag:s8], $0x80  }
0x77: {  	[sflag:s8] =	ssyncset.done $0x0  }
0x78: {  	[sflag:s8] =	ssyncadd.s32 $0xFFFFFF80  }
0x79: {  	v0 =	vld [tilespmem:s12+$0x0];
	_ =	sdelay $0x4  }
0x7a: {  	v1 =	vnsel vm0, $0x0, v0;
	v2 =	vsel vm1, $0x0, v0;
	v3 =	vsel vm4, $0x0, v0  }
0x7b: {  	v4 =	vsel vm2, $0x0, v0;
	v5 =	vsel vm5, $0x0, v0;
	v6 =	vsel vm8, $0x0, v0;
	(xrf0) =	vadd.scan.msk.s32 $0xffff, v1  }
0x7c: {  	v7 =	vsel vm9, $0x0, v0;
	v8 =	vsel vm10, $0x0, v0;
	v1 =	vsel vm6, $0x0, v0;
	(xrf0) =	vadd.scan.msk.s32 $0xffff, v2  }
0x7d: {  	v9 =	vsel vm11, $0x0, v0;
	v10 =	vsel vm12, $0x0, v0;
	v2 =	vsel vm7, $0x0, v0;
	(xrf0) =	vadd.scan.msk.s32 $0xffff, v4  }
0x7e: {  	v11 =	vsel vm13, $0x0, v0;
	v12 =	vsel vm14, $0x0, v0;
	v4 =	vsel vm3, $0x0, v0;
	(xrf0) =	vadd.scan.msk.s32 $0xffff, v2  }
0x7f: {  	v0 =	vsel vm15, $0x0, v0;
	(xrf0) =	vadd.scan.msk.s32 $0xffff, v4  }
0x80: {  	(xrf0) =	vadd.scan.msk.s32 $0xffff, v3  }
0x81: {  	v2, _, _ =	vpop (xrf0);
	(xrf0) =	vadd.scan.msk.s32 $0xffff, v5  }
0x82: {  	(v2sf) =	vpush v2, $0xF;
	v2, _, _ =	vpop (xrf0);
	(xrf0) =	vadd.scan.msk.s32 $0xffff, v1  }
0x83: {  	(v2sf) =	vpush v2, $0xF;
	v1, _, _ =	vpop (xrf0);
	(xrf0) =	vadd.scan.msk.s32 $0xffff, v6  }
0x84: {  	(v2sf) =	vpush v1, $0xF;
	v1, _, _ =	vpop (xrf0);
	(xrf0) =	vadd.scan.msk.s32 $0xffff, v7  }
0x85: {  	v2, _, _ =	vpop (xrf0);
	(xrf0) =	vadd.scan.msk.s32 $0xffff, v8  }
0x86: {  	v3, _, _ =	vpop (xrf0);
	(xrf0) =	vadd.scan.msk.s32 $0xffff, v9  }
0x87: {  	(v2sf) =	vpush v2, $0xF;
	v2, _, _ =	vpop (xrf0);
	(xrf0) =	vadd.scan.msk.s32 $0xffff, v10  }
0x88: {  	(v2sf) =	vpush v3, $0xF;
	v3, _, _ =	vpop (xrf0);
	(xrf0) =	vadd.scan.msk.s32 $0xffff, v11  }
0x89: {  	v4, _, _ =	vpop (xrf0);
	(xrf0) =	vadd.scan.msk.s32 $0xffff, v12  }
0x8a: {  	v5, _, _ =	vpop (xrf0);
	(xrf0) =	vadd.scan.msk.s32 $0xffff, v0  }
0x8b: {  	v0, _, _ =	vpop (xrf0)  }
0x8c: {  	(v2sf) =	vpush v2, $0xF;
	v2, _, _ =	vpop (xrf0)  }
0x8d: {  	v6, _, _ =	vpop (xrf0)  }
0x8e: {  	s13 =	sshra.s32 s13, $0x2;
	(v2sf) =	vpush v3, $0xF;
	v3, _, _ =	vpop (xrf0)  }
0x8f: {  	v7, _, _ =	vpop (xrf0)  }
0x90: {  	s14 =	sadd.s32 $0x180, s13;
	s15 =	sadd.s32 $0x200, s13;
	(v2sf) =	vpush v1, $0xF;
	v1, _, _ =	vpop (xrf0)  }
0x91: {  	s16 =	sadd.s32 $0x80, s13;
	s17 =	sadd.s32 $0x300, s13;
	s18 =	spop (v2sf)  }
0x92: {  	s19 =	sadd.s32 $0x280, s13;
	s18 =	sshll.u32 s18, $0x4;
	s20 =	spop (v2sf)  }
0x93: {  	s18 =	sand.u32 $0x1FFFFFF0, s18;
	s20 =	sshll.u32 s20, $0x4;
	s21 =	spop (v2sf)  }
0x94: {  	s22 =	sadd.s32 $0x100, s13;
	s18 =	sadd.s32 s3, s18;
	s20 =	sand.u32 $0x1FFFFFF0, s20  }
0x95: {  	[tilespmem:s16], [sflag:$0x1] =	stream.linear.gather [hbm4b:s18+s2], $0x80, $0x38;
	(v2sf) =	vpush v4, $0xF;
	[tilespmem:$0x4080] =	vst v63  }
0x96: {  	s16 =	sadd.s32 s3, s20;
	s18 =	sshll.u32 s21, $0x4;
	s20 =	spop (v2sf)  }
0x97: {  	s18 =	sand.u32 $0x1FFFFFF0, s18;
	s20 =	sshll.u32 s20, $0x4;
	s21 =	spop (v2sf);
	(v2sf) =	vpush v5, $0xF  }
0x98: {  	[tilespmem:s22], [sflag:$0x1] =	stream.linear.gather [hbm4b:s16+s2], $0x80, $0x38;
	[tilespmem:$0x4080] =	vst v63  }
0x99: {  	s16 =	sadd.s32 s3, s18;
	s18 =	sand.u32 $0x1FFFFFF0, s20;
	s20 =	sshll.u32 s21, $0x4;
	(v2sf) =	vpush v0, $0xF  }
0x9a: {  	[tilespmem:s14], [sflag:$0x1] =	stream.linear.gather [hbm4b:s16+s2], $0x80, $0x38;
	(v2sf) =	vpush v2, $0xF;
	[tilespmem:$0x4080] =	vst v63  }
0x9b: {  	s14 =	sadd.s32 s3, s18;
	s16 =	sand.u32 $0x1FFFFFF0, s20;
	s18 =	spop (v2sf)  }
0x9c: {  	[tilespmem:s15], [sflag:$0x1] =	stream.linear.gather [hbm4b:s14+s2], $0x80, $0x38;
	(v2sf) =	vpush v6, $0xF;
	[tilespmem:$0x4080] =	vst v63  }
0x9d: {  	s14 =	sadd.s32 s3, s16;
	s15 =	sshll.u32 s18, $0x4;
	s16 =	spop (v2sf);
	(v2sf) =	vpush v3, $0xF  }
0x9e: {  	[tilespmem:s19], [sflag:$0x1] =	stream.linear.gather [hbm4b:s14+s2], $0x80, $0x38;
	[tilespmem:$0x4080] =	vst v63  }
0x9f: {  	s14 =	sand.u32 $0x1FFFFFF0, s15;
	s15 =	sshll.u32 s16, $0x4;
	s16 =	spop (v2sf);
	(v2sf) =	vpush v7, $0xF  }
0xa0: {  	s14 =	sadd.s32 s3, s14;
	s15 =	sand.u32 $0x1FFFFFF0, s15;
	s16 =	sshll.u32 s16, $0x4;
	(v2sf) =	vpush v1, $0xF  }
0xa1: {  	[tilespmem:s17], [sflag:$0x1] =	stream.linear.gather [hbm4b:s14+s2], $0x80, $0x38;
	[tilespmem:$0x4080] =	vst v63  }
0xa2: {  	s15 =	sadd.s32 s3, s15;
	s14 =	sadd.s32 $0x380, s13;
	s16 =	sand.u32 $0x1FFFFFF0, s16  }
0xa3: {  	[tilespmem:s14], [sflag:$0x1] =	stream.linear.gather [hbm4b:s15+s2], $0x80, $0x38;
	[tilespmem:$0x4080] =	vst v63  }
0xa4: {  	s14 =	sadd.s32 $0x400, s13;
	s15 =	sadd.s32 s3, s16;
	s16 =	spop (v2sf)  }
0xa5: {  	[tilespmem:s14], [sflag:$0x1] =	stream.linear.gather [hbm4b:s15+s2], $0x80, $0x38;
	[tilespmem:$0x4080] =	vst v63  }
0xa6: {  	_ =	swait.ge [sflag:s8], $0x80  }
0xa7: {  	s14 =	sshll.u32 s16, $0x4;
	s16 =	spop (v2sf)  }
0xa8: {  	s15 =	sand.u32 $0x1FFFFFF0, s14;
	[sflag:s8] =	ssyncset.done $0x0;
	s14 =	sshll.u32 s16, $0x4  }
0xa9: {  	[sflag:s8] =	ssyncadd.s32 $0xFFFFFF80;
	s14 =	sand.u32 $0x1FFFFFF0, s14;
	s16 =	spop (v2sf)  }
0xaa: {  	_ =	swait.ge [sflag:s8], $0x80  }
0xab: {  	s16 =	sshll.u32 s16, $0x4;
	s18 =	spop (v2sf)  }
0xac: {  	s17 =	sand.u32 $0x1FFFFFF0, s16;
	[sflag:s8] =	ssyncset.done $0x0;
	s16 =	sshll.u32 s18, $0x4  }
0xad: {  	[sflag:s8] =	ssyncadd.s32 $0xFFFFFF80;
	s16 =	sand.u32 $0x1FFFFFF0, s16;
	s18 =	spop (v2sf)  }
0xae: {  	_ =	swait.ge [sflag:s8], $0x80  }
0xaf: {  	s18 =	sshll.u32 s18, $0x4;
	s19 =	spop (v2sf)  }
0xb0: {  	s20 =	sand.u32 $0x1FFFFFF0, s18;
	[sflag:s8] =	ssyncset.done $0x0;
	s18 =	sshll.u32 s19, $0x4  }
0xb1: {  	[sflag:s8] =	ssyncadd.s32 $0xFFFFFF80;
	s18 =	sand.u32 $0x1FFFFFF0, s18;
	s19 =	spop (v2sf)  }
0xb2: {  	_ =	swait.ge [sflag:s8], $0x80  }
0xb3: {  	s19 =	sshll.u32 s19, $0x4;
	s21 =	spop (v2sf)  }
0xb4: {  	s19 =	sand.u32 $0x1FFFFFF0, s19;
	[sflag:s8] =	ssyncset.done $0x0;
	s21 =	sshll.u32 s21, $0x4  }
0xb5: {  	[sflag:s8] =	ssyncadd.s32 $0xFFFFFF80;
	s21 =	sand.u32 $0x1FFFFFF0, s21  }
0xb6: {  	_ =	swait.ge [sflag:s8], $0x80  }
0xb7: {  	[sflag:s8] =	ssyncset.done $0x0  }
0xb8: {  	[sflag:s8] =	ssyncadd.s32 $0xFFFFFF80  }
0xb9: {  	_ =	swait.ge [sflag:s8], $0x80  }
0xba: {  	[sflag:s8] =	ssyncset.done $0x0  }
0xbb: {  	[sflag:s8] =	ssyncadd.s32 $0xFFFFFF80  }
0xbc: {  	_ =	swait.ge [sflag:s8], $0x80  }
0xbd: {  	[sflag:s8] =	ssyncset.done $0x0  }
0xbe: {  	[sflag:s8] =	ssyncadd.s32 $0xFFFFFF80  }
0xbf: {  	_ =	swait.ge [sflag:s8], $0x80  }
0xc0: {  	[sflag:s8] =	ssyncset.done $0x0  }
0xc1: {  	s22 =	sadd.s32 $0x480, s13;
	s15 =	sadd.s32 s3, s15;
	[sflag:s8] =	ssyncadd.s32 $0xFFFFFF80  }
0xc2: {  	[tilespmem:s22], [sflag:$0x1] =	stream.linear.gather [hbm4b:s15+s2], $0x80, $0x38;
	[tilespmem:$0x4080] =	vst v63  }
0xc3: {  	s14 =	sadd.s32 s3, s14;
	s15 =	sadd.s32 $0x500, s13  }
0xc4: {  	[tilespmem:s15], [sflag:$0x1] =	stream.linear.gather [hbm4b:s14+s2], $0x80, $0x38;
	[tilespmem:$0x4080] =	vst v63  }
0xc5: {  	s14 =	sadd.s32 $0x580, s13;
	s15 =	sadd.s32 s3, s17  }
0xc6: {  	[tilespmem:s14], [sflag:$0x1] =	stream.linear.gather [hbm4b:s15+s2], $0x80, $0x38;
	[tilespmem:$0x4080] =	vst v63  }
0xc7: {  	s14 =	sadd.s32 $0x600, s13;
	s15 =	sadd.s32 s3, s16  }
0xc8: {  	[tilespmem:s14], [sflag:$0x1] =	stream.linear.gather [hbm4b:s15+s2], $0x80, $0x38;
	[tilespmem:$0x4080] =	vst v63  }
0xc9: {  	s14 =	sadd.s32 $0x680, s13;
	s15 =	sadd.s32 s3, s20  }
0xca: {  	[tilespmem:s14], [sflag:$0x1] =	stream.linear.gather [hbm4b:s15+s2], $0x80, $0x38;
	[tilespmem:$0x4080] =	vst v63  }
0xcb: {  	s14 =	sadd.s32 $0x700, s13;
	s15 =	sadd.s32 s3, s18  }
0xcc: {  	[tilespmem:s14], [sflag:$0x1] =	stream.linear.gather [hbm4b:s15+s2], $0x80, $0x38;
	[tilespmem:$0x4080] =	vst v63  }
0xcd: {  	s14 =	sadd.s32 $0x780, s13;
	s15 =	sadd.s32 s3, s19  }
0xce: {  	[tilespmem:s14], [sflag:$0x1] =	stream.linear.gather [hbm4b:s15+s2], $0x80, $0x38;
	[tilespmem:$0x4080] =	vst v63  }
0xcf: {  	s13 =	sadd.s32 $0x800, s13;
	s14 =	sadd.s32 s3, s21  }
0xd0: {  	[tilespmem:s13], [sflag:$0x1] =	stream.linear.gather [hbm4b:s14+s2], $0x80, $0x38;
	[tilespmem:$0x4080] =	vst v63  }
0xd1: {  	_ =	swait.ge [sflag:s8], $0x80  }
0xd2: {  	[sflag:s8] =	ssyncset.done $0x0  }
0xd3: {  	[sflag:s8] =	ssyncadd.s32 $0xFFFFFF80  }
0xd4: {  	_ =	swait.ge [sflag:s8], $0x80  }
0xd5: {  	[sflag:s8] =	ssyncset.done $0x0  }
0xd6: {  	[sflag:s8] =	ssyncadd.s32 $0xFFFFFF80  }
0xd7: {  	_ =	swait.ge [sflag:s8], $0x80  }
0xd8: {  	[sflag:s8] =	ssyncset.done $0x0  }
0xd9: {  	[sflag:s8] =	ssyncadd.s32 $0xFFFFFF80  }
0xda: {  	_ =	swait.ge [sflag:s8], $0x80  }
0xdb: {  	[sflag:s8] =	ssyncset.done $0x0  }
0xdc: {  	[sflag:s8] =	ssyncadd.s32 $0xFFFFFF80  }
.Ltmp0:
0xdd: {  	_ =	swait.ge [sflag:s8], $0x80;
	(pc) =	sbr.rel @p0 .LBB2_2-.Ltmp0, $4  }
0xde: {  	[sflag:s8] =	ssyncset.done $0x0  }
0xdf: {  	[sflag:s8] =	ssyncadd.s32 $0xFFFFFF80  }
0xe0: {  	_ =	swait.ge [sflag:s8], $0x80  }
0xe1: {  	[sflag:s8] =	ssyncset.done $0x0  }
0xe2: {  	[sflag:s8] =	ssyncadd.s32 $0xFFFFFF80  }
0xe3: {  	_ =	swait.ge [sflag:s8], $0x80  }
0xe4: {  	[sflag:s8] =	ssyncset.done $0x0  }
0xe5: {  	[sflag:s8] =	ssyncadd.s32 $0xFFFFFF80  }
0xe6: {  	s10 =	sadd.s32 $0x1, s10;
	_ =	swait.ge [sflag:s8], $0x80  }
0xe7: {  	p0 =	sne.s32 s10, s6;
	[sflag:s8] =	ssyncset.done $0x0  }
.Ltmp1:
0xe8: {  	[sflag:s8] =	ssyncadd.s32 $0xFFFFFF80;
	(pc) =	sbr.rel @p0 .LBB2_1-.Ltmp1, $4  }
0xe9: {  	[hbm4b:s5+s2] =	stream.linear.scatter [tilespmem:s9], [sflag:$0x2], $0x4000, $0x38;
	[tilespmem:$0x4080] =	vst v63  }
0xea: {  	_ =	swait.ge [sflag:s7], $0x4000  }
0xeb: {  	[sflag:s7] =	ssyncset.done $0x0  }
0xec: {  	[sflag:s7] =	ssyncadd.s32 $0xFFFFC000  }
0xed: {  	_ =	sfence.sel $0x180000  }
0xee: {  	[bflag:$0x0] =	sbarrier.arrive $0xFFFF  }
0xef: {  	p0 =	sne.s32 s1, $0x0;
	_ =	strace $0x90000047  }
0xf0: {  	s0 =	sadd.s32 @!p0 $0x100000, s0;
	[bflag:$0x2] =	sbarrier.arrive $0xFFFF  }
0xf1: {  	[sflag:s0] =	ssyncadd.tile.s32 @!p0 $0x1;
	_ =	shalt  }
.Lfunc_end2:
_tile_overlayer_lowered:
.L_overlay_start_2:
0xf2: {  	(tag) =	ssettag $0x2  }
0xf3: {  	s0 =	rddreg [dreg:$0x0];
	s2 =	stileid.u32  }
0xf4: {  	s1 =	rddreg [dreg:$0x1];
	p0 =	sne.s32 s2, $0x0  }
0xf5: {  	s3 =	rddreg [dreg:$0x2];
	[bflag:$0x3] =	sbarrier.arrive $0xFFFF;
	s2 =	simm.s32 @!p0 $0x1C02  }
0xf6: {  	[timem:s3], [sflag:s2] =	dma.local @!p0 [hbm:s0], s1  }
0xf7: {  	s0 =	simm.s32 @!p0 $0x2  }
0xf8: {  	_ =	swait.ge @!p0 [sflag:s0], s1  }
0xf9: {  	s1 =	ssub.s32 @!p0 $0x0, s1;
	[sflag:s0] =	ssyncset.done @!p0 $0x0  }
0xfa: {  	[sflag:s0] =	ssyncadd.s32 @!p0 s1  }
0xfb: {  	[bflag:$0x3] =	sbarrier.arrive $0xFFFF  }
0xfc: {  	_ =	shalt  }

</sc_bundles>
